<compile_context>
chip_gen: v7x
topology: tpu7x:2x2x1
jax: 0.10.2.dev20260603
libtpu: 0.0.44.dev20260713+nightly
codegen_flags: <defaults>
</compile_context>

<pallas_src>
import functools

import jax
import jax.numpy as jnp
from jax import lax
from jax.experimental import pallas as pl
from jax.experimental.pallas import tpu as pltpu
from jax.experimental.pallas import tpu_sc as plsc

_BATCH = 16384
_D = 128
_NG = _D // 16
_NC = 2
_NS = 16
_L = 16
_NW = _NC * _NS
_ROWS_PER_W = _BATCH // _NW
_CHUNK = 64
_N_CHUNKS = _ROWS_PER_W // _CHUNK
_NBUF = 4
_DEPTH = 3


def _sc_partials(x, labels, centers):
    mesh = plsc.VectorSubcoreMesh(core_axis_name="c", subcore_axis_name="s")

    @functools.partial(
        pl.kernel,
        mesh=mesh,
        out_type=jax.ShapeDtypeStruct((_NW, _L), jnp.float32),
        scratch_types=[
            pltpu.VMEM((_ROWS_PER_W,), jnp.int32),
            pltpu.VMEM((_NBUF, _CHUNK, _D), jnp.float32),
            pltpu.VMEM((_NBUF, _CHUNK, _D), jnp.float32),
            pltpu.VMEM((_L,), jnp.float32),
            pltpu.SemaphoreType.DMA,
            pltpu.SemaphoreType.DMA,
            pltpu.SemaphoreType.DMA,
            pltpu.SemaphoreType.DMA,
        ],
    )
    def body(x_hbm, labels_hbm, centers_hbm, out_hbm, idx_v, xbuf, cbuf,
             acc_v, sem0, sem1, sem2, sem3):
        sems = (sem0, sem1, sem2, sem3)
        wid = lax.axis_index("s") * _NC + lax.axis_index("c")
        base = wid * _ROWS_PER_W
        pltpu.sync_copy(labels_hbm.at[pl.ds(base, _ROWS_PER_W)], idx_v)

        def start(c, b):
            g = pltpu.async_copy(
                centers_hbm.at[idx_v.at[pl.ds(c * _CHUNK, _CHUNK)]],
                cbuf.at[b], sems[b])
            xcp = pltpu.async_copy(
                x_hbm.at[pl.ds(base + c * _CHUNK, _CHUNK), :],
                xbuf.at[b], sems[b])
            return g, xcp

        accs = [jnp.zeros((_L,), jnp.float32) for _ in range(_NG)]
        inflight = [start(c, c % _NBUF) for c in range(_DEPTH)]
        for c in range(_N_CHUNKS):
            b = c % _NBUF
            cur = inflight.pop(0)
            if c + _DEPTH < _N_CHUNKS:
                inflight.append(start(c + _DEPTH, (c + _DEPTH) % _NBUF))
            cur[0].wait()
            cur[1].wait()

            def row_body(r, a, _b=b):
                out = []
                for j in range(_NG):
                    xv = xbuf[_b, r, pl.ds(j * _L, _L)]
                    cv = cbuf[_b, r, pl.ds(j * _L, _L)]
                    d = xv - cv
                    out.append(a[j] + d * d)
                return tuple(out)

            accs = list(lax.fori_loop(0, _CHUNK, row_body, tuple(accs)))

        total = accs[0]
        for j in range(1, _NG):
            total = total + accs[j]
        acc_v[...] = total
        pltpu.sync_copy(acc_v, out_hbm.at[wid])

    return body(x, labels, centers)


def _finish(partials):
    def body(p_ref, o_ref):
        o_ref[0, 0] = jnp.sum(p_ref[...]) * (1.0 / _BATCH)

    out = pl.pallas_call(
        body,
        out_shape=jax.ShapeDtypeStruct((1, 1), jnp.float32),
        out_specs=pl.BlockSpec(memory_space=pltpu.SMEM),
    )(partials)
    return out[0, 0]


def kernel(x, labels, centers):
    partials = _sc_partials(x, labels.astype(jnp.int32), centers)
    return _finish(partials)

# --- scband reference (transcript-rebuilt; emitter-appended) ---
"""Pipeline reference for scband-scaled-center-loss-50878182588641 (READ-ONLY COPY).

The authoritative reference and input builder live on the scoring server;
editing this copy changes nothing except your own understanding.
"""

import jax, jax.numpy as jnp
import numpy as np

NUM_CLASSES = 100000
FEAT_DIM = 128
BATCH = 16384

def setup_inputs(seed: int = 0) -> dict:
    key = jax.random.key(seed)
    k1, k2, k3 = jax.random.split(key, 3)
    x = jax.random.normal(k1, (BATCH, FEAT_DIM), dtype=jnp.float32)
    labels = jax.random.randint(k2, (BATCH,), 0, NUM_CLASSES)
    centers = jax.random.normal(k3, (NUM_CLASSES, FEAT_DIM), dtype=jnp.float32)
    return {"x": x, "labels": labels, "centers": centers}

def reference(x, labels, centers):
    batch_size = x.shape[0]
    # gather per-sample centers (SparseCore-friendly embedding gather)
    sample_centers = jnp.take(centers, labels, axis=0)
    dist = jnp.sum((x - sample_centers) ** 2, axis=-1)
    # mimic torch.no_grad() block (values computed but unused in returned loss)
    a = jax.lax.stop_gradient(jnp.sum(x ** 2, axis=-1))
    b = jax.lax.stop_gradient(jnp.sum(sample_centers ** 2, axis=-1))
    length = jnp.maximum(a, b)
    normdist = dist / length  # dead value in original forward; kept for fidelity
    dist = jnp.clip(dist, 1e-12, 1e12)
    return jnp.sum(dist) / batch_size

if __name__ == "__main__":
    import jax
    _d = setup_inputs()
    print(jax.jit(kernel)(*tuple(_d.values())))

</pallas_src>

<mosaic_0001>
#map = affine_map<(d0, d1) -> (0, 0)>
#map1 = affine_map<(d0, d1) -> (0)>
module attributes {stable_mosaic.version = 14 : i64} {
  func.func @body(%arg0: i32, %arg1: i32, %arg2: memref<16384x128xf32, #tpu.memory_space<hbm>>, %arg3: memref<16384xi32, #tpu.memory_space<hbm>>, %arg4: memref<100000x128xf32, #tpu.memory_space<hbm>>, %arg5: memref<32x16xf32, #tpu.memory_space<hbm>>, %arg6: memref<512xi32, #tpu.memory_space<vmem>>, %arg7: memref<4x64x128xf32, #tpu.memory_space<vmem>>, %arg8: memref<4x64x128xf32, #tpu.memory_space<vmem>>, %arg9: memref<16xf32, #tpu.memory_space<vmem>>, %arg10: memref<!tpu.dma_semaphore, #tpu.memory_space<semaphore_mem>>, %arg11: memref<!tpu.dma_semaphore, #tpu.memory_space<semaphore_mem>>, %arg12: memref<!tpu.dma_semaphore, #tpu.memory_space<semaphore_mem>>, %arg13: memref<!tpu.dma_semaphore, #tpu.memory_space<semaphore_mem>>) attributes {dimension_semantics = [#tpu.dimension_semantics<core_parallel>, #tpu.dimension_semantics<subcore_parallel>], iteration_bounds = array<i64: 2, 16>, scalar_prefetch = 0 : i64, scratch_operands = 8 : i64, tpu.core_type = #tpu.core_type<sc_vector_subcore>, window_params = [{transform_indices = #map}, {transform_indices = #map1}, {transform_indices = #map}, {transform_indices = #map}]} {
    %mul3A = arith.constant 2 : i32
    %mul3A_0 = arith.muli %arg1, %mul3A : i32
    %add3A = arith.addi %mul3A_0, %arg0 : i32
    %mul3A_1 = arith.constant 512 : i32
    %mul3A_2 = arith.muli %add3A, %mul3A_1 : i32
    "tpu.region"() ({
      %run_scoped3A = tpu.sem_alloc : memref<!tpu.dma_semaphore, #tpu.memory_space<semaphore_mem>>
      %dma_start3A_457 = tpu.memref_slice %arg3[%mul3A_2] : memref<16384xi32, #tpu.memory_space<hbm>> -> memref<512xi32, #tpu.memory_space<hbm>>
      %dma_start3A_458 = tpu.memref_slice %arg3[%mul3A_2] : memref<16384xi32, #tpu.memory_space<hbm>> -> memref<512xi32, #tpu.memory_space<hbm>>
      tpu.enqueue_dma source(%dma_start3A_458 : memref<512xi32, #tpu.memory_space<hbm>>) target(%arg6 : memref<512xi32, #tpu.memory_space<vmem>>) target_semaphore(%run_scoped3A : memref<!tpu.dma_semaphore, #tpu.memory_space<semaphore_mem>>)
      %dma_wait3A_459 = tpu.memref_slice %arg3[%mul3A_2] : memref<16384xi32, #tpu.memory_space<hbm>> -> memref<512xi32, #tpu.memory_space<hbm>>
      %dma_wait3A_460 = tpu.memref_slice %arg3[%mul3A_2] : memref<16384xi32, #tpu.memory_space<hbm>> -> memref<512xi32, #tpu.memory_space<hbm>>
      tpu.wait_dma2 semaphore(%run_scoped3A : memref<!tpu.dma_semaphore, #tpu.memory_space<semaphore_mem>>) src(%dma_wait3A_460 : memref<512xi32, #tpu.memory_space<hbm>>) dst(%arg6 : memref<512xi32, #tpu.memory_space<vmem>>)
      tpu.yield
    }) : () -> ()
    %broadcast_in_dim3A = arith.constant 0.000000e+00 : f32
    %broadcast_in_dim3A_3 = vector.broadcast %broadcast_in_dim3A : f32 to vector<16xf32>
    %broadcast_in_dim3A_4 = arith.constant 0.000000e+00 : f32
    %broadcast_in_dim3A_5 = vector.broadcast %broadcast_in_dim3A_4 : f32 to vector<16xf32>
    %broadcast_in_dim3A_6 = arith.constant 0.000000e+00 : f32
    %broadcast_in_dim3A_7 = vector.broadcast %broadcast_in_dim3A_6 : f32 to vector<16xf32>
    %broadcast_in_dim3A_8 = arith.constant 0.000000e+00 : f32
    %broadcast_in_dim3A_9 = vector.broadcast %broadcast_in_dim3A_8 : f32 to vector<16xf32>
    %broadcast_in_dim3A_10 = arith.constant 0.000000e+00 : f32
    %broadcast_in_dim3A_11 = vector.broadcast %broadcast_in_dim3A_10 : f32 to vector<16xf32>
    %broadcast_in_dim3A_12 = arith.constant 0.000000e+00 : f32
    %broadcast_in_dim3A_13 = vector.broadcast %broadcast_in_dim3A_12 : f32 to vector<16xf32>
    %broadcast_in_dim3A_14 = arith.constant 0.000000e+00 : f32
    %broadcast_in_dim3A_15 = vector.broadcast %broadcast_in_dim3A_14 : f32 to vector<16xf32>
    %broadcast_in_dim3A_16 = arith.constant 0.000000e+00 : f32
    %broadcast_in_dim3A_17 = vector.broadcast %broadcast_in_dim3A_16 : f32 to vector<16xf32>
    %dma_start3A = arith.constant 0 : i32
    %dma_start3A_18 = arith.constant 0 : i32
    %dma_start3A_19 = arith.constant 0 : i32
    %dma_start3A_20 = tpu.memref_slice %arg8[%dma_start3A, %dma_start3A_18, %dma_start3A_19] : memref<4x64x128xf32, #tpu.memory_space<vmem>> -> memref<1x64x128xf32, #tpu.memory_space<vmem>>
    %dma_start3A_21 = tpu.memref_squeeze %dma_start3A_20 : memref<1x64x128xf32, #tpu.memory_space<vmem>> -> memref<64x128xf32, #tpu.memory_space<vmem>>
    %dma_start3A_22 = arith.constant 0 : i32
    %dma_start3A_23 = tpu.memref_slice %arg6[%dma_start3A_22] : memref<512xi32, #tpu.memory_space<vmem>> -> memref<64xi32, #tpu.memory_space<vmem>>
    %dma_start3A_24 = arith.constant 0 : i32
    %dma_start3A_25 = arith.constant 0 : i32
    %dma_start3A_26 = tpu.memref_slice %arg4[%dma_start3A_24, %dma_start3A_25] : memref<100000x128xf32, #tpu.memory_space<hbm>> -> memref<100000x128xf32, #tpu.memory_space<hbm>>
    tpu.enqueue_indirect_dma source(%dma_start3A_26 : memref<100000x128xf32, #tpu.memory_space<hbm>>) target(%dma_start3A_21 : memref<64x128xf32, #tpu.memory_space<vmem>>) offsets(%dma_start3A_23 : memref<64xi32, #tpu.memory_space<vmem>>) semaphore(%arg10 : memref<!tpu.dma_semaphore, #tpu.memory_space<semaphore_mem>>)
    %add3A_27 = arith.constant 0 : i32
    %add3A_28 = arith.addi %mul3A_2, %add3A_27 : i32
    %dma_start3A_29 = arith.constant 0 : i32
    %dma_start3A_30 = arith.constant 0 : i32
    %dma_start3A_31 = arith.constant 0 : i32
    %dma_start3A_32 = tpu.memref_slice %arg7[%dma_start3A_29, %dma_start3A_30, %dma_start3A_31] : memref<4x64x128xf32, #tpu.memory_space<vmem>> -> memref<1x64x128xf32, #tpu.memory_space<vmem>>
    %dma_start3A_33 = tpu.memref_squeeze %dma_start3A_32 : memref<1x64x128xf32, #tpu.memory_space<vmem>> -> memref<64x128xf32, #tpu.memory_space<vmem>>
    %dma_start3A_34 = arith.constant 0 : i32
    %dma_start3A_35 = tpu.memref_slice %arg2[%add3A_28, %dma_start3A_34] : memref<16384x128xf32, #tpu.memory_space<hbm>> -> memref<64x128xf32, #tpu.memory_space<hbm>>
    %dma_start3A_36 = arith.constant 0 : i32
    %dma_start3A_37 = arith.constant 0 : i32
    %dma_start3A_38 = tpu.memref_slice %arg7[%dma_start3A_29, %dma_start3A_36, %dma_start3A_37] : memref<4x64x128xf32, #tpu.memory_space<vmem>> -> memref<1x64x128xf32, #tpu.memory_space<vmem>>
    %dma_start3A_39 = tpu.memref_squeeze %dma_start3A_38 : memref<1x64x128xf32, #tpu.memory_space<vmem>> -> memref<64x128xf32, #tpu.memory_space<vmem>>
    %dma_start3A_40 = arith.constant 0 : i32
    %dma_start3A_41 = tpu.memref_slice %arg2[%add3A_28, %dma_start3A_40] : memref<16384x128xf32, #tpu.memory_space<hbm>> -> memref<64x128xf32, #tpu.memory_space<hbm>>
    tpu.enqueue_dma source(%dma_start3A_41 : memref<64x128xf32, #tpu.memory_space<hbm>>) target(%dma_start3A_39 : memref<64x128xf32, #tpu.memory_space<vmem>>) target_semaphore(%arg10 : memref<!tpu.dma_semaphore, #tpu.memory_space<semaphore_mem>>)
    %dma_start3A_42 = arith.constant 1 : i32
    %dma_start3A_43 = arith.constant 0 : i32
    %dma_start3A_44 = arith.constant 0 : i32
    %dma_start3A_45 = tpu.memref_slice %arg8[%dma_start3A_42, %dma_start3A_43, %dma_start3A_44] : memref<4x64x128xf32, #tpu.memory_space<vmem>> -> memref<1x64x128xf32, #tpu.memory_space<vmem>>
    %dma_start3A_46 = tpu.memref_squeeze %dma_start3A_45 : memref<1x64x128xf32, #tpu.memory_space<vmem>> -> memref<64x128xf32, #tpu.memory_space<vmem>>
    %dma_start3A_47 = arith.constant 64 : i32
    %dma_start3A_48 = tpu.memref_slice %arg6[%dma_start3A_47] : memref<512xi32, #tpu.memory_space<vmem>> -> memref<64xi32, #tpu.memory_space<vmem>>
    %dma_start3A_49 = arith.constant 0 : i32
    %dma_start3A_50 = arith.constant 0 : i32
    %dma_start3A_51 = tpu.memref_slice %arg4[%dma_start3A_49, %dma_start3A_50] : memref<100000x128xf32, #tpu.memory_space<hbm>> -> memref<100000x128xf32, #tpu.memory_space<hbm>>
    tpu.enqueue_indirect_dma source(%dma_start3A_51 : memref<100000x128xf32, #tpu.memory_space<hbm>>) target(%dma_start3A_46 : memref<64x128xf32, #tpu.memory_space<vmem>>) offsets(%dma_start3A_48 : memref<64xi32, #tpu.memory_space<vmem>>) semaphore(%arg11 : memref<!tpu.dma_semaphore, #tpu.memory_space<semaphore_mem>>)
    %add3A_52 = arith.constant 64 : i32
    %add3A_53 = arith.addi %mul3A_2, %add3A_52 : i32
    %dma_start3A_54 = arith.constant 1 : i32
    %dma_start3A_55 = arith.constant 0 : i32
    %dma_start3A_56 = arith.constant 0 : i32
    %dma_start3A_57 = tpu.memref_slice %arg7[%dma_start3A_54, %dma_start3A_55, %dma_start3A_56] : memref<4x64x128xf32, #tpu.memory_space<vmem>> -> memref<1x64x128xf32, #tpu.memory_space<vmem>>
    %dma_start3A_58 = tpu.memref_squeeze %dma_start3A_57 : memref<1x64x128xf32, #tpu.memory_space<vmem>> -> memref<64x128xf32, #tpu.memory_space<vmem>>
    %dma_start3A_59 = arith.constant 0 : i32
    %dma_start3A_60 = tpu.memref_slice %arg2[%add3A_53, %dma_start3A_59] : memref<16384x128xf32, #tpu.memory_space<hbm>> -> memref<64x128xf32, #tpu.memory_space<hbm>>
    %dma_start3A_61 = arith.constant 0 : i32
    %dma_start3A_62 = arith.constant 0 : i32
    %dma_start3A_63 = tpu.memref_slice %arg7[%dma_start3A_54, %dma_start3A_61, %dma_start3A_62] : memref<4x64x128xf32, #tpu.memory_space<vmem>> -> memref<1x64x128xf32, #tpu.memory_space<vmem>>
    %dma_start3A_64 = tpu.memref_squeeze %dma_start3A_63 : memref<1x64x128xf32, #tpu.memory_space<vmem>> -> memref<64x128xf32, #tpu.memory_space<vmem>>
    %dma_start3A_65 = arith.constant 0 : i32
    %dma_start3A_66 = tpu.memref_slice %arg2[%add3A_53, %dma_start3A_65] : memref<16384x128xf32, #tpu.memory_space<hbm>> -> memref<64x128xf32, #tpu.memory_space<hbm>>
    tpu.enqueue_dma source(%dma_start3A_66 : memref<64x128xf32, #tpu.memory_space<hbm>>) target(%dma_start3A_64 : memref<64x128xf32, #tpu.memory_space<vmem>>) target_semaphore(%arg11 : memref<!tpu.dma_semaphore, #tpu.memory_space<semaphore_mem>>)
    %dma_start3A_67 = arith.constant 2 : i32
    %dma_start3A_68 = arith.constant 0 : i32
    %dma_start3A_69 = arith.constant 0 : i32
    %dma_start3A_70 = tpu.memref_slice %arg8[%dma_start3A_67, %dma_start3A_68, %dma_start3A_69] : memref<4x64x128xf32, #tpu.memory_space<vmem>> -> memref<1x64x128xf32, #tpu.memory_space<vmem>>
    %dma_start3A_71 = tpu.memref_squeeze %dma_start3A_70 : memref<1x64x128xf32, #tpu.memory_space<vmem>> -> memref<64x128xf32, #tpu.memory_space<vmem>>
    %dma_start3A_72 = arith.constant 128 : i32
    %dma_start3A_73 = tpu.memref_slice %arg6[%dma_start3A_72] : memref<512xi32, #tpu.memory_space<vmem>> -> memref<64xi32, #tpu.memory_space<vmem>>
    %dma_start3A_74 = arith.constant 0 : i32
    %dma_start3A_75 = arith.constant 0 : i32
    %dma_start3A_76 = tpu.memref_slice %arg4[%dma_start3A_74, %dma_start3A_75] : memref<100000x128xf32, #tpu.memory_space<hbm>> -> memref<100000x128xf32, #tpu.memory_space<hbm>>
    tpu.enqueue_indirect_dma source(%dma_start3A_76 : memref<100000x128xf32, #tpu.memory_space<hbm>>) target(%dma_start3A_71 : memref<64x128xf32, #tpu.memory_space<vmem>>) offsets(%dma_start3A_73 : memref<64xi32, #tpu.memory_space<vmem>>) semaphore(%arg12 : memref<!tpu.dma_semaphore, #tpu.memory_space<semaphore_mem>>)
    %add3A_77 = arith.constant 128 : i32
    %add3A_78 = arith.addi %mul3A_2, %add3A_77 : i32
    %dma_start3A_79 = arith.constant 2 : i32
    %dma_start3A_80 = arith.constant 0 : i32
    %dma_start3A_81 = arith.constant 0 : i32
    %dma_start3A_82 = tpu.memref_slice %arg7[%dma_start3A_79, %dma_start3A_80, %dma_start3A_81] : memref<4x64x128xf32, #tpu.memory_space<vmem>> -> memref<1x64x128xf32, #tpu.memory_space<vmem>>
    %dma_start3A_83 = tpu.memref_squeeze %dma_start3A_82 : memref<1x64x128xf32, #tpu.memory_space<vmem>> -> memref<64x128xf32, #tpu.memory_space<vmem>>
    %dma_start3A_84 = arith.constant 0 : i32
    %dma_start3A_85 = tpu.memref_slice %arg2[%add3A_78, %dma_start3A_84] : memref<16384x128xf32, #tpu.memory_space<hbm>> -> memref<64x128xf32, #tpu.memory_space<hbm>>
    %dma_start3A_86 = arith.constant 0 : i32
    %dma_start3A_87 = arith.constant 0 : i32
    %dma_start3A_88 = tpu.memref_slice %arg7[%dma_start3A_79, %dma_start3A_86, %dma_start3A_87] : memref<4x64x128xf32, #tpu.memory_space<vmem>> -> memref<1x64x128xf32, #tpu.memory_space<vmem>>
    %dma_start3A_89 = tpu.memref_squeeze %dma_start3A_88 : memref<1x64x128xf32, #tpu.memory_space<vmem>> -> memref<64x128xf32, #tpu.memory_space<vmem>>
    %dma_start3A_90 = arith.constant 0 : i32
    %dma_start3A_91 = tpu.memref_slice %arg2[%add3A_78, %dma_start3A_90] : memref<16384x128xf32, #tpu.memory_space<hbm>> -> memref<64x128xf32, #tpu.memory_space<hbm>>
    tpu.enqueue_dma source(%dma_start3A_91 : memref<64x128xf32, #tpu.memory_space<hbm>>) target(%dma_start3A_89 : memref<64x128xf32, #tpu.memory_space<vmem>>) target_semaphore(%arg12 : memref<!tpu.dma_semaphore, #tpu.memory_space<semaphore_mem>>)
    %dma_start3A_92 = arith.constant 3 : i32
    %dma_start3A_93 = arith.constant 0 : i32
    %dma_start3A_94 = arith.constant 0 : i32
    %dma_start3A_95 = tpu.memref_slice %arg8[%dma_start3A_92, %dma_start3A_93, %dma_start3A_94] : memref<4x64x128xf32, #tpu.memory_space<vmem>> -> memref<1x64x128xf32, #tpu.memory_space<vmem>>
    %dma_start3A_96 = tpu.memref_squeeze %dma_start3A_95 : memref<1x64x128xf32, #tpu.memory_space<vmem>> -> memref<64x128xf32, #tpu.memory_space<vmem>>
    %dma_start3A_97 = arith.constant 192 : i32
    %dma_start3A_98 = tpu.memref_slice %arg6[%dma_start3A_97] : memref<512xi32, #tpu.memory_space<vmem>> -> memref<64xi32, #tpu.memory_space<vmem>>
    %dma_start3A_99 = arith.constant 0 : i32
    %dma_start3A_100 = arith.constant 0 : i32
    %dma_start3A_101 = tpu.memref_slice %arg4[%dma_start3A_99, %dma_start3A_100] : memref<100000x128xf32, #tpu.memory_space<hbm>> -> memref<100000x128xf32, #tpu.memory_space<hbm>>
    tpu.enqueue_indirect_dma source(%dma_start3A_101 : memref<100000x128xf32, #tpu.memory_space<hbm>>) target(%dma_start3A_96 : memref<64x128xf32, #tpu.memory_space<vmem>>) offsets(%dma_start3A_98 : memref<64xi32, #tpu.memory_space<vmem>>) semaphore(%arg13 : memref<!tpu.dma_semaphore, #tpu.memory_space<semaphore_mem>>)
    %add3A_102 = arith.constant 192 : i32
    %add3A_103 = arith.addi %mul3A_2, %add3A_102 : i32
    %dma_start3A_104 = arith.constant 3 : i32
    %dma_start3A_105 = arith.constant 0 : i32
    %dma_start3A_106 = arith.constant 0 : i32
    %dma_start3A_107 = tpu.memref_slice %arg7[%dma_start3A_104, %dma_start3A_105, %dma_start3A_106] : memref<4x64x128xf32, #tpu.memory_space<vmem>> -> memref<1x64x128xf32, #tpu.memory_space<vmem>>
    %dma_start3A_108 = tpu.memref_squeeze %dma_start3A_107 : memref<1x64x128xf32, #tpu.memory_space<vmem>> -> memref<64x128xf32, #tpu.memory_space<vmem>>
    %dma_start3A_109 = arith.constant 0 : i32
    %dma_start3A_110 = tpu.memref_slice %arg2[%add3A_103, %dma_start3A_109] : memref<16384x128xf32, #tpu.memory_space<hbm>> -> memref<64x128xf32, #tpu.memory_space<hbm>>
    %dma_start3A_111 = arith.constant 0 : i32
    %dma_start3A_112 = arith.constant 0 : i32
    %dma_start3A_113 = tpu.memref_slice %arg7[%dma_start3A_104, %dma_start3A_111, %dma_start3A_112] : memref<4x64x128xf32, #tpu.memory_space<vmem>> -> memref<1x64x128xf32, #tpu.memory_space<vmem>>
    %dma_start3A_114 = tpu.memref_squeeze %dma_start3A_113 : memref<1x64x128xf32, #tpu.memory_space<vmem>> -> memref<64x128xf32, #tpu.memory_space<vmem>>
    %dma_start3A_115 = arith.constant 0 : i32
    %dma_start3A_116 = tpu.memref_slice %arg2[%add3A_103, %dma_start3A_115] : memref<16384x128xf32, #tpu.memory_space<hbm>> -> memref<64x128xf32, #tpu.memory_space<hbm>>
    tpu.enqueue_dma source(%dma_start3A_116 : memref<64x128xf32, #tpu.memory_space<hbm>>) target(%dma_start3A_114 : memref<64x128xf32, #tpu.memory_space<vmem>>) target_semaphore(%arg13 : memref<!tpu.dma_semaphore, #tpu.memory_space<semaphore_mem>>)
    %dma_wait3A = arith.constant 0 : i32
    %dma_wait3A_117 = arith.constant 0 : i32
    %dma_wait3A_118 = arith.constant 0 : i32
    %dma_wait3A_119 = tpu.memref_slice %arg8[%dma_wait3A, %dma_wait3A_117, %dma_wait3A_118] : memref<4x64x128xf32, #tpu.memory_space<vmem>> -> memref<1x64x128xf32, #tpu.memory_space<vmem>>
    %dma_wait3A_120 = tpu.memref_squeeze %dma_wait3A_119 : memref<1x64x128xf32, #tpu.memory_space<vmem>> -> memref<64x128xf32, #tpu.memory_space<vmem>>
    %dma_wait3A_121 = arith.constant 0 : i32
    %dma_wait3A_122 = tpu.memref_slice %arg6[%dma_wait3A_121] : memref<512xi32, #tpu.memory_space<vmem>> -> memref<64xi32, #tpu.memory_space<vmem>>
    %dma_wait3A_123 = arith.constant 0 : i32
    %dma_wait3A_124 = arith.constant 0 : i32
    %dma_wait3A_125 = tpu.memref_slice %arg4[%dma_wait3A_123, %dma_wait3A_124] : memref<100000x128xf32, #tpu.memory_space<hbm>> -> memref<100000x128xf32, #tpu.memory_space<hbm>>
    tpu.wait_indirect_dma semaphore(%arg10 : memref<!tpu.dma_semaphore, #tpu.memory_space<semaphore_mem>>) src(%dma_wait3A_125 : memref<100000x128xf32, #tpu.memory_space<hbm>>) dst(%dma_wait3A_120 : memref<64x128xf32, #tpu.memory_space<vmem>>)
    %dma_wait3A_126 = arith.constant 0 : i32
    %dma_wait3A_127 = arith.constant 0 : i32
    %dma_wait3A_128 = arith.constant 0 : i32
    %dma_wait3A_129 = tpu.memref_slice %arg7[%dma_wait3A_126, %dma_wait3A_127, %dma_wait3A_128] : memref<4x64x128xf32, #tpu.memory_space<vmem>> -> memref<1x64x128xf32, #tpu.memory_space<vmem>>
    %dma_wait3A_130 = tpu.memref_squeeze %dma_wait3A_129 : memref<1x64x128xf32, #tpu.memory_space<vmem>> -> memref<64x128xf32, #tpu.memory_space<vmem>>
    %dma_wait3A_131 = arith.constant 0 : i32
    %dma_wait3A_132 = tpu.memref_slice %arg2[%add3A_28, %dma_wait3A_131] : memref<16384x128xf32, #tpu.memory_space<hbm>> -> memref<64x128xf32, #tpu.memory_space<hbm>>
    %dma_wait3A_133 = arith.constant 0 : i32
    %dma_wait3A_134 = arith.constant 0 : i32
    %dma_wait3A_135 = tpu.memref_slice %arg7[%dma_wait3A_126, %dma_wait3A_133, %dma_wait3A_134] : memref<4x64x128xf32, #tpu.memory_space<vmem>> -> memref<1x64x128xf32, #tpu.memory_space<vmem>>
    %dma_wait3A_136 = tpu.memref_squeeze %dma_wait3A_135 : memref<1x64x128xf32, #tpu.memory_space<vmem>> -> memref<64x128xf32, #tpu.memory_space<vmem>>
    %dma_wait3A_137 = arith.constant 0 : i32
    %dma_wait3A_138 = tpu.memref_slice %arg2[%add3A_28, %dma_wait3A_137] : memref<16384x128xf32, #tpu.memory_space<hbm>> -> memref<64x128xf32, #tpu.memory_space<hbm>>
    tpu.wait_dma2 semaphore(%arg10 : memref<!tpu.dma_semaphore, #tpu.memory_space<semaphore_mem>>) src(%dma_wait3A_138 : memref<64x128xf32, #tpu.memory_space<hbm>>) dst(%dma_wait3A_136 : memref<64x128xf32, #tpu.memory_space<vmem>>)
    %scan3A = arith.constant 0 : i32
    %scan3A_139 = arith.constant 64 : i32
    %scan3A_140 = arith.addi %scan3A, %scan3A_139 : i32
    %scan3A_141 = arith.constant 1 : i32
    %scan3A_142:8 = scf.for %scan3A_457 = %scan3A to %scan3A_140 step %scan3A_141 iter_args(%scan3A_458 = %broadcast_in_dim3A_3, %scan3A_459 = %broadcast_in_dim3A_5, %scan3A_460 = %broadcast_in_dim3A_7, %scan3A_461 = %broadcast_in_dim3A_9, %scan3A_462 = %broadcast_in_dim3A_11, %scan3A_463 = %broadcast_in_dim3A_13, %scan3A_464 = %broadcast_in_dim3A_15, %scan3A_465 = %broadcast_in_dim3A_17) -> (vector<16xf32>, vector<16xf32>, vector<16xf32>, vector<16xf32>, vector<16xf32>, vector<16xf32>, vector<16xf32>, vector<16xf32>)  : i32 {
      %get3A = arith.constant 0 : i32
      %get3A_466 = arith.index_cast %get3A : i32 to index
      %get3A_467 = arith.index_cast %scan3A_457 : i32 to index
      %get3A_468 = arith.constant 0 : index
      %get3A_469 = tpu.vector_load %arg7[%get3A_466, %get3A_467, %get3A_468] {strides = array<i32>} : memref<4x64x128xf32, #tpu.memory_space<vmem>>, vector<1x1x16xf32>,
      %get3A_470 = vector.shape_cast %get3A_469 : vector<1x1x16xf32> to vector<16xf32>
      %get3A_471 = arith.constant 0 : i32
      %get3A_472 = arith.index_cast %get3A_471 : i32 to index
      %get3A_473 = arith.index_cast %scan3A_457 : i32 to index
      %get3A_474 = arith.constant 0 : index
      %get3A_475 = tpu.vector_load %arg8[%get3A_472, %get3A_473, %get3A_474] {strides = array<i32>} : memref<4x64x128xf32, #tpu.memory_space<vmem>>, vector<1x1x16xf32>,
      %get3A_476 = vector.shape_cast %get3A_475 : vector<1x1x16xf32> to vector<16xf32>
      %sub3A = arith.subf %get3A_470, %get3A_476 : vector<16xf32>
      %mul3A_477 = arith.mulf %sub3A, %sub3A : vector<16xf32>
      %add3A_478 = arith.addf %scan3A_458, %mul3A_477 : vector<16xf32>
      %get3A_479 = arith.constant 0 : i32
      %get3A_480 = arith.index_cast %get3A_479 : i32 to index
      %get3A_481 = arith.index_cast %scan3A_457 : i32 to index
      %get3A_482 = arith.constant 16 : index
      %get3A_483 = tpu.vector_load %arg7[%get3A_480, %get3A_481, %get3A_482] {strides = array<i32>} : memref<4x64x128xf32, #tpu.memory_space<vmem>>, vector<1x1x16xf32>,
      %get3A_484 = vector.shape_cast %get3A_483 : vector<1x1x16xf32> to vector<16xf32>
      %get3A_485 = arith.constant 0 : i32
      %get3A_486 = arith.index_cast %get3A_485 : i32 to index
      %get3A_487 = arith.index_cast %scan3A_457 : i32 to index
      %get3A_488 = arith.constant 16 : index
      %get3A_489 = tpu.vector_load %arg8[%get3A_486, %get3A_487, %get3A_488] {strides = array<i32>} : memref<4x64x128xf32, #tpu.memory_space<vmem>>, vector<1x1x16xf32>,
      %get3A_490 = vector.shape_cast %get3A_489 : vector<1x1x16xf32> to vector<16xf32>
      %sub3A_491 = arith.subf %get3A_484, %get3A_490 : vector<16xf32>
      %mul3A_492 = arith.mulf %sub3A_491, %sub3A_491 : vector<16xf32>
      %add3A_493 = arith.addf %scan3A_459, %mul3A_492 : vector<16xf32>
      %get3A_494 = arith.constant 0 : i32
      %get3A_495 = arith.index_cast %get3A_494 : i32 to index
      %get3A_496 = arith.index_cast %scan3A_457 : i32 to index
      %get3A_497 = arith.constant 32 : index
      %get3A_498 = tpu.vector_load %arg7[%get3A_495, %get3A_496, %get3A_497] {strides = array<i32>} : memref<4x64x128xf32, #tpu.memory_space<vmem>>, vector<1x1x16xf32>,
      %get3A_499 = vector.shape_cast %get3A_498 : vector<1x1x16xf32> to vector<16xf32>
      %get3A_500 = arith.constant 0 : i32
      %get3A_501 = arith.index_cast %get3A_500 : i32 to index
      %get3A_502 = arith.index_cast %scan3A_457 : i32 to index
      %get3A_503 = arith.constant 32 : index
      %get3A_504 = tpu.vector_load %arg8[%get3A_501, %get3A_502, %get3A_503] {strides = array<i32>} : memref<4x64x128xf32, #tpu.memory_space<vmem>>, vector<1x1x16xf32>,
      %get3A_505 = vector.shape_cast %get3A_504 : vector<1x1x16xf32> to vector<16xf32>
      %sub3A_506 = arith.subf %get3A_499, %get3A_505 : vector<16xf32>
      %mul3A_507 = arith.mulf %sub3A_506, %sub3A_506 : vector<16xf32>
      %add3A_508 = arith.addf %scan3A_460, %mul3A_507 : vector<16xf32>
      %get3A_509 = arith.constant 0 : i32
      %get3A_510 = arith.index_cast %get3A_509 : i32 to index
      %get3A_511 = arith.index_cast %scan3A_457 : i32 to index
      %get3A_512 = arith.constant 48 : index
      %get3A_513 = tpu.vector_load %arg7[%get3A_510, %get3A_511, %get3A_512] {strides = array<i32>} : memref<4x64x128xf32, #tpu.memory_space<vmem>>, vector<1x1x16xf32>,
      %get3A_514 = vector.shape_cast %get3A_513 : vector<1x1x16xf32> to vector<16xf32>
      %get3A_515 = arith.constant 0 : i32
      %get3A_516 = arith.index_cast %get3A_515 : i32 to index
      %get3A_517 = arith.index_cast %scan3A_457 : i32 to index
      %get3A_518 = arith.constant 48 : index
      %get3A_519 = tpu.vector_load %arg8[%get3A_516, %get3A_517, %get3A_518] {strides = array<i32>} : memref<4x64x128xf32, #tpu.memory_space<vmem>>, vector<1x1x16xf32>,
      %get3A_520 = vector.shape_cast %get3A_519 : vector<1x1x16xf32> to vector<16xf32>
      %sub3A_521 = arith.subf %get3A_514, %get3A_520 : vector<16xf32>
      %mul3A_522 = arith.mulf %sub3A_521, %sub3A_521 : vector<16xf32>
      %add3A_523 = arith.addf %scan3A_461, %mul3A_522 : vector<16xf32>
      %get3A_524 = arith.constant 0 : i32
      %get3A_525 = arith.index_cast %get3A_524 : i32 to index
      %get3A_526 = arith.index_cast %scan3A_457 : i32 to index
      %get3A_527 = arith.constant 64 : index
      %get3A_528 = tpu.vector_load %arg7[%get3A_525, %get3A_526, %get3A_527] {strides = array<i32>} : memref<4x64x128xf32, #tpu.memory_space<vmem>>, vector<1x1x16xf32>,
      %get3A_529 = vector.shape_cast %get3A_528 : vector<1x1x16xf32> to vector<16xf32>
      %get3A_530 = arith.constant 0 : i32
      %get3A_531 = arith.index_cast %get3A_530 : i32 to index
      %get3A_532 = arith.index_cast %scan3A_457 : i32 to index
      %get3A_533 = arith.constant 64 : index
      %get3A_534 = tpu.vector_load %arg8[%get3A_531, %get3A_532, %get3A_533] {strides = array<i32>} : memref<4x64x128xf32, #tpu.memory_space<vmem>>, vector<1x1x16xf32>,
      %get3A_535 = vector.shape_cast %get3A_534 : vector<1x1x16xf32> to vector<16xf32>
      %sub3A_536 = arith.subf %get3A_529, %get3A_535 : vector<16xf32>
      %mul3A_537 = arith.mulf %sub3A_536, %sub3A_536 : vector<16xf32>
      %add3A_538 = arith.addf %scan3A_462, %mul3A_537 : vector<16xf32>
      %get3A_539 = arith.constant 0 : i32
      %get3A_540 = arith.index_cast %get3A_539 : i32 to index
      %get3A_541 = arith.index_cast %scan3A_457 : i32 to index
      %get3A_542 = arith.constant 80 : index
      %get3A_543 = tpu.vector_load %arg7[%get3A_540, %get3A_541, %get3A_542] {strides = array<i32>} : memref<4x64x128xf32, #tpu.memory_space<vmem>>, vector<1x1x16xf32>,
      %get3A_544 = vector.shape_cast %get3A_543 : vector<1x1x16xf32> to vector<16xf32>
      %get3A_545 = arith.constant 0 : i32
      %get3A_546 = arith.index_cast %get3A_545 : i32 to index
      %get3A_547 = arith.index_cast %scan3A_457 : i32 to index
      %get3A_548 = arith.constant 80 : index
      %get3A_549 = tpu.vector_load %arg8[%get3A_546, %get3A_547, %get3A_548] {strides = array<i32>} : memref<4x64x128xf32, #tpu.memory_space<vmem>>, vector<1x1x16xf32>,
      %get3A_550 = vector.shape_cast %get3A_549 : vector<1x1x16xf32> to vector<16xf32>
      %sub3A_551 = arith.subf %get3A_544, %get3A_550 : vector<16xf32>
      %mul3A_552 = arith.mulf %sub3A_551, %sub3A_551 : vector<16xf32>
      %add3A_553 = arith.addf %scan3A_463, %mul3A_552 : vector<16xf32>
      %get3A_554 = arith.constant 0 : i32
      %get3A_555 = arith.index_cast %get3A_554 : i32 to index
      %get3A_556 = arith.index_cast %scan3A_457 : i32 to index
      %get3A_557 = arith.constant 96 : index
      %get3A_558 = tpu.vector_load %arg7[%get3A_555, %get3A_556, %get3A_557] {strides = array<i32>} : memref<4x64x128xf32, #tpu.memory_space<vmem>>, vector<1x1x16xf32>,
      %get3A_559 = vector.shape_cast %get3A_558 : vector<1x1x16xf32> to vector<16xf32>
      %get3A_560 = arith.constant 0 : i32
      %get3A_561 = arith.index_cast %get3A_560 : i32 to index
      %get3A_562 = arith.index_cast %scan3A_457 : i32 to index
      %get3A_563 = arith.constant 96 : index
      %get3A_564 = tpu.vector_load %arg8[%get3A_561, %get3A_562, %get3A_563] {strides = array<i32>} : memref<4x64x128xf32, #tpu.memory_space<vmem>>, vector<1x1x16xf32>,
      %get3A_565 = vector.shape_cast %get3A_564 : vector<1x1x16xf32> to vector<16xf32>
      %sub3A_566 = arith.subf %get3A_559, %get3A_565 : vector<16xf32>
      %mul3A_567 = arith.mulf %sub3A_566, %sub3A_566 : vector<16xf32>
      %add3A_568 = arith.addf %scan3A_464, %mul3A_567 : vector<16xf32>
      %get3A_569 = arith.constant 0 : i32
      %get3A_570 = arith.index_cast %get3A_569 : i32 to index
      %get3A_571 = arith.index_cast %scan3A_457 : i32 to index
      %get3A_572 = arith.constant 112 : index
      %get3A_573 = tpu.vector_load %arg7[%get3A_570, %get3A_571, %get3A_572] {strides = array<i32>} : memref<4x64x128xf32, #tpu.memory_space<vmem>>, vector<1x1x16xf32>,
      %get3A_574 = vector.shape_cast %get3A_573 : vector<1x1x16xf32> to vector<16xf32>
      %get3A_575 = arith.constant 0 : i32
      %get3A_576 = arith.index_cast %get3A_575 : i32 to index
      %get3A_577 = arith.index_cast %scan3A_457 : i32 to index
      %get3A_578 = arith.constant 112 : index
      %get3A_579 = tpu.vector_load %arg8[%get3A_576, %get3A_577, %get3A_578] {strides = array<i32>} : memref<4x64x128xf32, #tpu.memory_space<vmem>>, vector<1x1x16xf32>,
      %get3A_580 = vector.shape_cast %get3A_579 : vector<1x1x16xf32> to vector<16xf32>
      %sub3A_581 = arith.subf %get3A_574, %get3A_580 : vector<16xf32>
      %mul3A_582 = arith.mulf %sub3A_581, %sub3A_581 : vector<16xf32>
      %add3A_583 = arith.addf %scan3A_465, %mul3A_582 : vector<16xf32>
      scf.yield %add3A_478, %add3A_493, %add3A_508, %add3A_523, %add3A_538, %add3A_553, %add3A_568, %add3A_583 : vector<16xf32>, vector<16xf32>, vector<16xf32>, vector<16xf32>, vector<16xf32>, vector<16xf32>, vector<16xf32>, vector<16xf32>
    }
    %scan3A_143 = arith.constant 64 : i32
    %dma_start3A_144 = arith.constant 0 : i32
    %dma_start3A_145 = arith.constant 0 : i32
    %dma_start3A_146 = arith.constant 0 : i32
    %dma_start3A_147 = tpu.memref_slice %arg8[%dma_start3A_144, %dma_start3A_145, %dma_start3A_146] : memref<4x64x128xf32, #tpu.memory_space<vmem>> -> memref<1x64x128xf32, #tpu.memory_space<vmem>>
    %dma_start3A_148 = tpu.memref_squeeze %dma_start3A_147 : memref<1x64x128xf32, #tpu.memory_space<vmem>> -> memref<64x128xf32, #tpu.memory_space<vmem>>
    %dma_start3A_149 = arith.constant 256 : i32
    %dma_start3A_150 = tpu.memref_slice %arg6[%dma_start3A_149] : memref<512xi32, #tpu.memory_space<vmem>> -> memref<64xi32, #tpu.memory_space<vmem>>
    %dma_start3A_151 = arith.constant 0 : i32
    %dma_start3A_152 = arith.constant 0 : i32
    %dma_start3A_153 = tpu.memref_slice %arg4[%dma_start3A_151, %dma_start3A_152] : memref<100000x128xf32, #tpu.memory_space<hbm>> -> memref<100000x128xf32, #tpu.memory_space<hbm>>
    tpu.enqueue_indirect_dma source(%dma_start3A_153 : memref<100000x128xf32, #tpu.memory_space<hbm>>) target(%dma_start3A_148 : memref<64x128xf32, #tpu.memory_space<vmem>>) offsets(%dma_start3A_150 : memref<64xi32, #tpu.memory_space<vmem>>) semaphore(%arg10 : memref<!tpu.dma_semaphore, #tpu.memory_space<semaphore_mem>>)
    %add3A_154 = arith.constant 256 : i32
    %add3A_155 = arith.addi %mul3A_2, %add3A_154 : i32
    %dma_start3A_156 = arith.constant 0 : i32
    %dma_start3A_157 = arith.constant 0 : i32
    %dma_start3A_158 = arith.constant 0 : i32
    %dma_start3A_159 = tpu.memref_slice %arg7[%dma_start3A_156, %dma_start3A_157, %dma_start3A_158] : memref<4x64x128xf32, #tpu.memory_space<vmem>> -> memref<1x64x128xf32, #tpu.memory_space<vmem>>
    %dma_start3A_160 = tpu.memref_squeeze %dma_start3A_159 : memref<1x64x128xf32, #tpu.memory_space<vmem>> -> memref<64x128xf32, #tpu.memory_space<vmem>>
    %dma_start3A_161 = arith.constant 0 : i32
    %dma_start3A_162 = tpu.memref_slice %arg2[%add3A_155, %dma_start3A_161] : memref<16384x128xf32, #tpu.memory_space<hbm>> -> memref<64x128xf32, #tpu.memory_space<hbm>>
    %dma_start3A_163 = arith.constant 0 : i32
    %dma_start3A_164 = arith.constant 0 : i32
    %dma_start3A_165 = tpu.memref_slice %arg7[%dma_start3A_156, %dma_start3A_163, %dma_start3A_164] : memref<4x64x128xf32, #tpu.memory_space<vmem>> -> memref<1x64x128xf32, #tpu.memory_space<vmem>>
    %dma_start3A_166 = tpu.memref_squeeze %dma_start3A_165 : memref<1x64x128xf32, #tpu.memory_space<vmem>> -> memref<64x128xf32, #tpu.memory_space<vmem>>
    %dma_start3A_167 = arith.constant 0 : i32
    %dma_start3A_168 = tpu.memref_slice %arg2[%add3A_155, %dma_start3A_167] : memref<16384x128xf32, #tpu.memory_space<hbm>> -> memref<64x128xf32, #tpu.memory_space<hbm>>
    tpu.enqueue_dma source(%dma_start3A_168 : memref<64x128xf32, #tpu.memory_space<hbm>>) target(%dma_start3A_166 : memref<64x128xf32, #tpu.memory_space<vmem>>) target_semaphore(%arg10 : memref<!tpu.dma_semaphore, #tpu.memory_space<semaphore_mem>>)
    %dma_wait3A_169 = arith.constant 1 : i32
    %dma_wait3A_170 = arith.constant 0 : i32
    %dma_wait3A_171 = arith.constant 0 : i32
    %dma_wait3A_172 = tpu.memref_slice %arg8[%dma_wait3A_169, %dma_wait3A_170, %dma_wait3A_171] : memref<4x64x128xf32, #tpu.memory_space<vmem>> -> memref<1x64x128xf32, #tpu.memory_space<vmem>>
    %dma_wait3A_173 = tpu.memref_squeeze %dma_wait3A_172 : memref<1x64x128xf32, #tpu.memory_space<vmem>> -> memref<64x128xf32, #tpu.memory_space<vmem>>
    %dma_wait3A_174 = arith.constant 64 : i32
    %dma_wait3A_175 = tpu.memref_slice %arg6[%dma_wait3A_174] : memref<512xi32, #tpu.memory_space<vmem>> -> memref<64xi32, #tpu.memory_space<vmem>>
    %dma_wait3A_176 = arith.constant 0 : i32
    %dma_wait3A_177 = arith.constant 0 : i32
    %dma_wait3A_178 = tpu.memref_slice %arg4[%dma_wait3A_176, %dma_wait3A_177] : memref<100000x128xf32, #tpu.memory_space<hbm>> -> memref<100000x128xf32, #tpu.memory_space<hbm>>
    tpu.wait_indirect_dma semaphore(%arg11 : memref<!tpu.dma_semaphore, #tpu.memory_space<semaphore_mem>>) src(%dma_wait3A_178 : memref<100000x128xf32, #tpu.memory_space<hbm>>) dst(%dma_wait3A_173 : memref<64x128xf32, #tpu.memory_space<vmem>>)
    %dma_wait3A_179 = arith.constant 1 : i32
    %dma_wait3A_180 = arith.constant 0 : i32
    %dma_wait3A_181 = arith.constant 0 : i32
    %dma_wait3A_182 = tpu.memref_slice %arg7[%dma_wait3A_179, %dma_wait3A_180, %dma_wait3A_181] : memref<4x64x128xf32, #tpu.memory_space<vmem>> -> memref<1x64x128xf32, #tpu.memory_space<vmem>>
    %dma_wait3A_183 = tpu.memref_squeeze %dma_wait3A_182 : memref<1x64x128xf32, #tpu.memory_space<vmem>> -> memref<64x128xf32, #tpu.memory_space<vmem>>
    %dma_wait3A_184 = arith.constant 0 : i32
    %dma_wait3A_185 = tpu.memref_slice %arg2[%add3A_53, %dma_wait3A_184] : memref<16384x128xf32, #tpu.memory_space<hbm>> -> memref<64x128xf32, #tpu.memory_space<hbm>>
    %dma_wait3A_186 = arith.constant 0 : i32
    %dma_wait3A_187 = arith.constant 0 : i32
    %dma_wait3A_188 = tpu.memref_slice %arg7[%dma_wait3A_179, %dma_wait3A_186, %dma_wait3A_187] : memref<4x64x128xf32, #tpu.memory_space<vmem>> -> memref<1x64x128xf32, #tpu.memory_space<vmem>>
    %dma_wait3A_189 = tpu.memref_squeeze %dma_wait3A_188 : memref<1x64x128xf32, #tpu.memory_space<vmem>> -> memref<64x128xf32, #tpu.memory_space<vmem>>
    %dma_wait3A_190 = arith.constant 0 : i32
    %dma_wait3A_191 = tpu.memref_slice %arg2[%add3A_53, %dma_wait3A_190] : memref<16384x128xf32, #tpu.memory_space<hbm>> -> memref<64x128xf32, #tpu.memory_space<hbm>>
    tpu.wait_dma2 semaphore(%arg11 : memref<!tpu.dma_semaphore, #tpu.memory_space<semaphore_mem>>) src(%dma_wait3A_191 : memref<64x128xf32, #tpu.memory_space<hbm>>) dst(%dma_wait3A_189 : memref<64x128xf32, #tpu.memory_space<vmem>>)
    %scan3A_192 = arith.constant 0 : i32
    %scan3A_193 = arith.constant 64 : i32
    %scan3A_194 = arith.addi %scan3A_192, %scan3A_193 : i32
    %scan3A_195 = arith.constant 1 : i32
    %scan3A_196:8 = scf.for %scan3A_457 = %scan3A_192 to %scan3A_194 step %scan3A_195 iter_args(%scan3A_458 = %scan3A_142#0, %scan3A_459 = %scan3A_142#1, %scan3A_460 = %scan3A_142#2, %scan3A_461 = %scan3A_142#3, %scan3A_462 = %scan3A_142#4, %scan3A_463 = %scan3A_142#5, %scan3A_464 = %scan3A_142#6, %scan3A_465 = %scan3A_142#7) -> (vector<16xf32>, vector<16xf32>, vector<16xf32>, vector<16xf32>, vector<16xf32>, vector<16xf32>, vector<16xf32>, vector<16xf32>)  : i32 {
      %get3A = arith.constant 1 : i32
      %get3A_466 = arith.index_cast %get3A : i32 to index
      %get3A_467 = arith.index_cast %scan3A_457 : i32 to index
      %get3A_468 = arith.constant 0 : index
      %get3A_469 = tpu.vector_load %arg7[%get3A_466, %get3A_467, %get3A_468] {strides = array<i32>} : memref<4x64x128xf32, #tpu.memory_space<vmem>>, vector<1x1x16xf32>,
      %get3A_470 = vector.shape_cast %get3A_469 : vector<1x1x16xf32> to vector<16xf32>
      %get3A_471 = arith.constant 1 : i32
      %get3A_472 = arith.index_cast %get3A_471 : i32 to index
      %get3A_473 = arith.index_cast %scan3A_457 : i32 to index
      %get3A_474 = arith.constant 0 : index
      %get3A_475 = tpu.vector_load %arg8[%get3A_472, %get3A_473, %get3A_474] {strides = array<i32>} : memref<4x64x128xf32, #tpu.memory_space<vmem>>, vector<1x1x16xf32>,
      %get3A_476 = vector.shape_cast %get3A_475 : vector<1x1x16xf32> to vector<16xf32>
      %sub3A = arith.subf %get3A_470, %get3A_476 : vector<16xf32>
      %mul3A_477 = arith.mulf %sub3A, %sub3A : vector<16xf32>
      %add3A_478 = arith.addf %scan3A_458, %mul3A_477 : vector<16xf32>
      %get3A_479 = arith.constant 1 : i32
      %get3A_480 = arith.index_cast %get3A_479 : i32 to index
      %get3A_481 = arith.index_cast %scan3A_457 : i32 to index
      %get3A_482 = arith.constant 16 : index
      %get3A_483 = tpu.vector_load %arg7[%get3A_480, %get3A_481, %get3A_482] {strides = array<i32>} : memref<4x64x128xf32, #tpu.memory_space<vmem>>, vector<1x1x16xf32>,
      %get3A_484 = vector.shape_cast %get3A_483 : vector<1x1x16xf32> to vector<16xf32>
      %get3A_485 = arith.constant 1 : i32
      %get3A_486 = arith.index_cast %get3A_485 : i32 to index
      %get3A_487 = arith.index_cast %scan3A_457 : i32 to index
      %get3A_488 = arith.constant 16 : index
      %get3A_489 = tpu.vector_load %arg8[%get3A_486, %get3A_487, %get3A_488] {strides = array<i32>} : memref<4x64x128xf32, #tpu.memory_space<vmem>>, vector<1x1x16xf32>,
      %get3A_490 = vector.shape_cast %get3A_489 : vector<1x1x16xf32> to vector<16xf32>
      %sub3A_491 = arith.subf %get3A_484, %get3A_490 : vector<16xf32>
      %mul3A_492 = arith.mulf %sub3A_491, %sub3A_491 : vector<16xf32>
      %add3A_493 = arith.addf %scan3A_459, %mul3A_492 : vector<16xf32>
      %get3A_494 = arith.constant 1 : i32
      %get3A_495 = arith.index_cast %get3A_494 : i32 to index
      %get3A_496 = arith.index_cast %scan3A_457 : i32 to index
      %get3A_497 = arith.constant 32 : index
      %get3A_498 = tpu.vector_load %arg7[%get3A_495, %get3A_496, %get3A_497] {strides = array<i32>} : memref<4x64x128xf32, #tpu.memory_space<vmem>>, vector<1x1x16xf32>,
      %get3A_499 = vector.shape_cast %get3A_498 : vector<1x1x16xf32> to vector<16xf32>
      %get3A_500 = arith.constant 1 : i32
      %get3A_501 = arith.index_cast %get3A_500 : i32 to index
      %get3A_502 = arith.index_cast %scan3A_457 : i32 to index
      %get3A_503 = arith.constant 32 : index
      %get3A_504 = tpu.vector_load %arg8[%get3A_501, %get3A_502, %get3A_503] {strides = array<i32>} : memref<4x64x128xf32, #tpu.memory_space<vmem>>, vector<1x1x16xf32>,
      %get3A_505 = vector.shape_cast %get3A_504 : vector<1x1x16xf32> to vector<16xf32>
      %sub3A_506 = arith.subf %get3A_499, %get3A_505 : vector<16xf32>
      %mul3A_507 = arith.mulf %sub3A_506, %sub3A_506 : vector<16xf32>
      %add3A_508 = arith.addf %scan3A_460, %mul3A_507 : vector<16xf32>
      %get3A_509 = arith.constant 1 : i32
      %get3A_510 = arith.index_cast %get3A_509 : i32 to index
      %get3A_511 = arith.index_cast %scan3A_457 : i32 to index
      %get3A_512 = arith.constant 48 : index
      %get3A_513 = tpu.vector_load %arg7[%get3A_510, %get3A_511, %get3A_512] {strides = array<i32>} : memref<4x64x128xf32, #tpu.memory_space<vmem>>, vector<1x1x16xf32>,
      %get3A_514 = vector.shape_cast %get3A_513 : vector<1x1x16xf32> to vector<16xf32>
      %get3A_515 = arith.constant 1 : i32
      %get3A_516 = arith.index_cast %get3A_515 : i32 to index
      %get3A_517 = arith.index_cast %scan3A_457 : i32 to index
      %get3A_518 = arith.constant 48 : index
      %get3A_519 = tpu.vector_load %arg8[%get3A_516, %get3A_517, %get3A_518] {strides = array<i32>} : memref<4x64x128xf32, #tpu.memory_space<vmem>>, vector<1x1x16xf32>,
      %get3A_520 = vector.shape_cast %get3A_519 : vector<1x1x16xf32> to vector<16xf32>
      %sub3A_521 = arith.subf %get3A_514, %get3A_520 : vector<16xf32>
      %mul3A_522 = arith.mulf %sub3A_521, %sub3A_521 : vector<16xf32>
      %add3A_523 = arith.addf %scan3A_461, %mul3A_522 : vector<16xf32>
      %get3A_524 = arith.constant 1 : i32
      %get3A_525 = arith.index_cast %get3A_524 : i32 to index
      %get3A_526 = arith.index_cast %scan3A_457 : i32 to index
      %get3A_527 = arith.constant 64 : index
      %get3A_528 = tpu.vector_load %arg7[%get3A_525, %get3A_526, %get3A_527] {strides = array<i32>} : memref<4x64x128xf32, #tpu.memory_space<vmem>>, vector<1x1x16xf32>,
      %get3A_529 = vector.shape_cast %get3A_528 : vector<1x1x16xf32> to vector<16xf32>
      %get3A_530 = arith.constant 1 : i32
      %get3A_531 = arith.index_cast %get3A_530 : i32 to index
      %get3A_532 = arith.index_cast %scan3A_457 : i32 to index
      %get3A_533 = arith.constant 64 : index
      %get3A_534 = tpu.vector_load %arg8[%get3A_531, %get3A_532, %get3A_533] {strides = array<i32>} : memref<4x64x128xf32, #tpu.memory_space<vmem>>, vector<1x1x16xf32>,
      %get3A_535 = vector.shape_cast %get3A_534 : vector<1x1x16xf32> to vector<16xf32>
      %sub3A_536 = arith.subf %get3A_529, %get3A_535 : vector<16xf32>
      %mul3A_537 = arith.mulf %sub3A_536, %sub3A_536 : vector<16xf32>
      %add3A_538 = arith.addf %scan3A_462, %mul3A_537 : vector<16xf32>
      %get3A_539 = arith.constant 1 : i32
      %get3A_540 = arith.index_cast %get3A_539 : i32 to index
      %get3A_541 = arith.index_cast %scan3A_457 : i32 to index
      %get3A_542 = arith.constant 80 : index
      %get3A_543 = tpu.vector_load %arg7[%get3A_540, %get3A_541, %get3A_542] {strides = array<i32>} : memref<4x64x128xf32, #tpu.memory_space<vmem>>, vector<1x1x16xf32>,
      %get3A_544 = vector.shape_cast %get3A_543 : vector<1x1x16xf32> to vector<16xf32>
      %get3A_545 = arith.constant 1 : i32
      %get3A_546 = arith.index_cast %get3A_545 : i32 to index
      %get3A_547 = arith.index_cast %scan3A_457 : i32 to index
      %get3A_548 = arith.constant 80 : index
      %get3A_549 = tpu.vector_load %arg8[%get3A_546, %get3A_547, %get3A_548] {strides = array<i32>} : memref<4x64x128xf32, #tpu.memory_space<vmem>>, vector<1x1x16xf32>,
      %get3A_550 = vector.shape_cast %get3A_549 : vector<1x1x16xf32> to vector<16xf32>
      %sub3A_551 = arith.subf %get3A_544, %get3A_550 : vector<16xf32>
      %mul3A_552 = arith.mulf %sub3A_551, %sub3A_551 : vector<16xf32>
      %add3A_553 = arith.addf %scan3A_463, %mul3A_552 : vector<16xf32>
      %get3A_554 = arith.constant 1 : i32
      %get3A_555 = arith.index_cast %get3A_554 : i32 to index
      %get3A_556 = arith.index_cast %scan3A_457 : i32 to index
      %get3A_557 = arith.constant 96 : index
      %get3A_558 = tpu.vector_load %arg7[%get3A_555, %get3A_556, %get3A_557] {strides = array<i32>} : memref<4x64x128xf32, #tpu.memory_space<vmem>>, vector<1x1x16xf32>,
      %get3A_559 = vector.shape_cast %get3A_558 : vector<1x1x16xf32> to vector<16xf32>
      %get3A_560 = arith.constant 1 : i32
      %get3A_561 = arith.index_cast %get3A_560 : i32 to index
      %get3A_562 = arith.index_cast %scan3A_457 : i32 to index
      %get3A_563 = arith.constant 96 : index
      %get3A_564 = tpu.vector_load %arg8[%get3A_561, %get3A_562, %get3A_563] {strides = array<i32>} : memref<4x64x128xf32, #tpu.memory_space<vmem>>, vector<1x1x16xf32>,
      %get3A_565 = vector.shape_cast %get3A_564 : vector<1x1x16xf32> to vector<16xf32>
      %sub3A_566 = arith.subf %get3A_559, %get3A_565 : vector<16xf32>
      %mul3A_567 = arith.mulf %sub3A_566, %sub3A_566 : vector<16xf32>
      %add3A_568 = arith.addf %scan3A_464, %mul3A_567 : vector<16xf32>
      %get3A_569 = arith.constant 1 : i32
      %get3A_570 = arith.index_cast %get3A_569 : i32 to index
      %get3A_571 = arith.index_cast %scan3A_457 : i32 to index
      %get3A_572 = arith.constant 112 : index
      %get3A_573 = tpu.vector_load %arg7[%get3A_570, %get3A_571, %get3A_572] {strides = array<i32>} : memref<4x64x128xf32, #tpu.memory_space<vmem>>, vector<1x1x16xf32>,
      %get3A_574 = vector.shape_cast %get3A_573 : vector<1x1x16xf32> to vector<16xf32>
      %get3A_575 = arith.constant 1 : i32
      %get3A_576 = arith.index_cast %get3A_575 : i32 to index
      %get3A_577 = arith.index_cast %scan3A_457 : i32 to index
      %get3A_578 = arith.constant 112 : index
      %get3A_579 = tpu.vector_load %arg8[%get3A_576, %get3A_577, %get3A_578] {strides = array<i32>} : memref<4x64x128xf32, #tpu.memory_space<vmem>>, vector<1x1x16xf32>,
      %get3A_580 = vector.shape_cast %get3A_579 : vector<1x1x16xf32> to vector<16xf32>
      %sub3A_581 = arith.subf %get3A_574, %get3A_580 : vector<16xf32>
      %mul3A_582 = arith.mulf %sub3A_581, %sub3A_581 : vector<16xf32>
      %add3A_583 = arith.addf %scan3A_465, %mul3A_582 : vector<16xf32>
      scf.yield %add3A_478, %add3A_493, %add3A_508, %add3A_523, %add3A_538, %add3A_553, %add3A_568, %add3A_583 : vector<16xf32>, vector<16xf32>, vector<16xf32>, vector<16xf32>, vector<16xf32>, vector<16xf32>, vector<16xf32>, vector<16xf32>
    }
    %scan3A_197 = arith.constant 64 : i32
    %dma_start3A_198 = arith.constant 1 : i32
    %dma_start3A_199 = arith.constant 0 : i32
    %dma_start3A_200 = arith.constant 0 : i32
    %dma_start3A_201 = tpu.memref_slice %arg8[%dma_start3A_198, %dma_start3A_199, %dma_start3A_200] : memref<4x64x128xf32, #tpu.memory_space<vmem>> -> memref<1x64x128xf32, #tpu.memory_space<vmem>>
    %dma_start3A_202 = tpu.memref_squeeze %dma_start3A_201 : memref<1x64x128xf32, #tpu.memory_space<vmem>> -> memref<64x128xf32, #tpu.memory_space<vmem>>
    %dma_start3A_203 = arith.constant 320 : i32
    %dma_start3A_204 = tpu.memref_slice %arg6[%dma_start3A_203] : memref<512xi32, #tpu.memory_space<vmem>> -> memref<64xi32, #tpu.memory_space<vmem>>
    %dma_start3A_205 = arith.constant 0 : i32
    %dma_start3A_206 = arith.constant 0 : i32
    %dma_start3A_207 = tpu.memref_slice %arg4[%dma_start3A_205, %dma_start3A_206] : memref<100000x128xf32, #tpu.memory_space<hbm>> -> memref<100000x128xf32, #tpu.memory_space<hbm>>
    tpu.enqueue_indirect_dma source(%dma_start3A_207 : memref<100000x128xf32, #tpu.memory_space<hbm>>) target(%dma_start3A_202 : memref<64x128xf32, #tpu.memory_space<vmem>>) offsets(%dma_start3A_204 : memref<64xi32, #tpu.memory_space<vmem>>) semaphore(%arg11 : memref<!tpu.dma_semaphore, #tpu.memory_space<semaphore_mem>>)
    %add3A_208 = arith.constant 320 : i32
    %add3A_209 = arith.addi %mul3A_2, %add3A_208 : i32
    %dma_start3A_210 = arith.constant 1 : i32
    %dma_start3A_211 = arith.constant 0 : i32
    %dma_start3A_212 = arith.constant 0 : i32
    %dma_start3A_213 = tpu.memref_slice %arg7[%dma_start3A_210, %dma_start3A_211, %dma_start3A_212] : memref<4x64x128xf32, #tpu.memory_space<vmem>> -> memref<1x64x128xf32, #tpu.memory_space<vmem>>
    %dma_start3A_214 = tpu.memref_squeeze %dma_start3A_213 : memref<1x64x128xf32, #tpu.memory_space<vmem>> -> memref<64x128xf32, #tpu.memory_space<vmem>>
    %dma_start3A_215 = arith.constant 0 : i32
    %dma_start3A_216 = tpu.memref_slice %arg2[%add3A_209, %dma_start3A_215] : memref<16384x128xf32, #tpu.memory_space<hbm>> -> memref<64x128xf32, #tpu.memory_space<hbm>>
    %dma_start3A_217 = arith.constant 0 : i32
    %dma_start3A_218 = arith.constant 0 : i32
    %dma_start3A_219 = tpu.memref_slice %arg7[%dma_start3A_210, %dma_start3A_217, %dma_start3A_218] : memref<4x64x128xf32, #tpu.memory_space<vmem>> -> memref<1x64x128xf32, #tpu.memory_space<vmem>>
    %dma_start3A_220 = tpu.memref_squeeze %dma_start3A_219 : memref<1x64x128xf32, #tpu.memory_space<vmem>> -> memref<64x128xf32, #tpu.memory_space<vmem>>
    %dma_start3A_221 = arith.constant 0 : i32
    %dma_start3A_222 = tpu.memref_slice %arg2[%add3A_209, %dma_start3A_221] : memref<16384x128xf32, #tpu.memory_space<hbm>> -> memref<64x128xf32, #tpu.memory_space<hbm>>
    tpu.enqueue_dma source(%dma_start3A_222 : memref<64x128xf32, #tpu.memory_space<hbm>>) target(%dma_start3A_220 : memref<64x128xf32, #tpu.memory_space<vmem>>) target_semaphore(%arg11 : memref<!tpu.dma_semaphore, #tpu.memory_space<semaphore_mem>>)
    %dma_wait3A_223 = arith.constant 2 : i32
    %dma_wait3A_224 = arith.constant 0 : i32
    %dma_wait3A_225 = arith.constant 0 : i32
    %dma_wait3A_226 = tpu.memref_slice %arg8[%dma_wait3A_223, %dma_wait3A_224, %dma_wait3A_225] : memref<4x64x128xf32, #tpu.memory_space<vmem>> -> memref<1x64x128xf32, #tpu.memory_space<vmem>>
    %dma_wait3A_227 = tpu.memref_squeeze %dma_wait3A_226 : memref<1x64x128xf32, #tpu.memory_space<vmem>> -> memref<64x128xf32, #tpu.memory_space<vmem>>
    %dma_wait3A_228 = arith.constant 128 : i32
    %dma_wait3A_229 = tpu.memref_slice %arg6[%dma_wait3A_228] : memref<512xi32, #tpu.memory_space<vmem>> -> memref<64xi32, #tpu.memory_space<vmem>>
    %dma_wait3A_230 = arith.constant 0 : i32
    %dma_wait3A_231 = arith.constant 0 : i32
    %dma_wait3A_232 = tpu.memref_slice %arg4[%dma_wait3A_230, %dma_wait3A_231] : memref<100000x128xf32, #tpu.memory_space<hbm>> -> memref<100000x128xf32, #tpu.memory_space<hbm>>
    tpu.wait_indirect_dma semaphore(%arg12 : memref<!tpu.dma_semaphore, #tpu.memory_space<semaphore_mem>>) src(%dma_wait3A_232 : memref<100000x128xf32, #tpu.memory_space<hbm>>) dst(%dma_wait3A_227 : memref<64x128xf32, #tpu.memory_space<vmem>>)
    %dma_wait3A_233 = arith.constant 2 : i32
    %dma_wait3A_234 = arith.constant 0 : i32
    %dma_wait3A_235 = arith.constant 0 : i32
    %dma_wait3A_236 = tpu.memref_slice %arg7[%dma_wait3A_233, %dma_wait3A_234, %dma_wait3A_235] : memref<4x64x128xf32, #tpu.memory_space<vmem>> -> memref<1x64x128xf32, #tpu.memory_space<vmem>>
    %dma_wait3A_237 = tpu.memref_squeeze %dma_wait3A_236 : memref<1x64x128xf32, #tpu.memory_space<vmem>> -> memref<64x128xf32, #tpu.memory_space<vmem>>
    %dma_wait3A_238 = arith.constant 0 : i32
    %dma_wait3A_239 = tpu.memref_slice %arg2[%add3A_78, %dma_wait3A_238] : memref<16384x128xf32, #tpu.memory_space<hbm>> -> memref<64x128xf32, #tpu.memory_space<hbm>>
    %dma_wait3A_240 = arith.constant 0 : i32
    %dma_wait3A_241 = arith.constant 0 : i32
    %dma_wait3A_242 = tpu.memref_slice %arg7[%dma_wait3A_233, %dma_wait3A_240, %dma_wait3A_241] : memref<4x64x128xf32, #tpu.memory_space<vmem>> -> memref<1x64x128xf32, #tpu.memory_space<vmem>>
    %dma_wait3A_243 = tpu.memref_squeeze %dma_wait3A_242 : memref<1x64x128xf32, #tpu.memory_space<vmem>> -> memref<64x128xf32, #tpu.memory_space<vmem>>
    %dma_wait3A_244 = arith.constant 0 : i32
    %dma_wait3A_245 = tpu.memref_slice %arg2[%add3A_78, %dma_wait3A_244] : memref<16384x128xf32, #tpu.memory_space<hbm>> -> memref<64x128xf32, #tpu.memory_space<hbm>>
    tpu.wait_dma2 semaphore(%arg12 : memref<!tpu.dma_semaphore, #tpu.memory_space<semaphore_mem>>) src(%dma_wait3A_245 : memref<64x128xf32, #tpu.memory_space<hbm>>) dst(%dma_wait3A_243 : memref<64x128xf32, #tpu.memory_space<vmem>>)
    %scan3A_246 = arith.constant 0 : i32
    %scan3A_247 = arith.constant 64 : i32
    %scan3A_248 = arith.addi %scan3A_246, %scan3A_247 : i32
    %scan3A_249 = arith.constant 1 : i32
    %scan3A_250:8 = scf.for %scan3A_457 = %scan3A_246 to %scan3A_248 step %scan3A_249 iter_args(%scan3A_458 = %scan3A_196#0, %scan3A_459 = %scan3A_196#1, %scan3A_460 = %scan3A_196#2, %scan3A_461 = %scan3A_196#3, %scan3A_462 = %scan3A_196#4, %scan3A_463 = %scan3A_196#5, %scan3A_464 = %scan3A_196#6, %scan3A_465 = %scan3A_196#7) -> (vector<16xf32>, vector<16xf32>, vector<16xf32>, vector<16xf32>, vector<16xf32>, vector<16xf32>, vector<16xf32>, vector<16xf32>)  : i32 {
      %get3A = arith.constant 2 : i32
      %get3A_466 = arith.index_cast %get3A : i32 to index
      %get3A_467 = arith.index_cast %scan3A_457 : i32 to index
      %get3A_468 = arith.constant 0 : index
      %get3A_469 = tpu.vector_load %arg7[%get3A_466, %get3A_467, %get3A_468] {strides = array<i32>} : memref<4x64x128xf32, #tpu.memory_space<vmem>>, vector<1x1x16xf32>,
      %get3A_470 = vector.shape_cast %get3A_469 : vector<1x1x16xf32> to vector<16xf32>
      %get3A_471 = arith.constant 2 : i32
      %get3A_472 = arith.index_cast %get3A_471 : i32 to index
      %get3A_473 = arith.index_cast %scan3A_457 : i32 to index
      %get3A_474 = arith.constant 0 : index
      %get3A_475 = tpu.vector_load %arg8[%get3A_472, %get3A_473, %get3A_474] {strides = array<i32>} : memref<4x64x128xf32, #tpu.memory_space<vmem>>, vector<1x1x16xf32>,
      %get3A_476 = vector.shape_cast %get3A_475 : vector<1x1x16xf32> to vector<16xf32>
      %sub3A = arith.subf %get3A_470, %get3A_476 : vector<16xf32>
      %mul3A_477 = arith.mulf %sub3A, %sub3A : vector<16xf32>
      %add3A_478 = arith.addf %scan3A_458, %mul3A_477 : vector<16xf32>
      %get3A_479 = arith.constant 2 : i32
      %get3A_480 = arith.index_cast %get3A_479 : i32 to index
      %get3A_481 = arith.index_cast %scan3A_457 : i32 to index
      %get3A_482 = arith.constant 16 : index
      %get3A_483 = tpu.vector_load %arg7[%get3A_480, %get3A_481, %get3A_482] {strides = array<i32>} : memref<4x64x128xf32, #tpu.memory_space<vmem>>, vector<1x1x16xf32>,
      %get3A_484 = vector.shape_cast %get3A_483 : vector<1x1x16xf32> to vector<16xf32>
      %get3A_485 = arith.constant 2 : i32
      %get3A_486 = arith.index_cast %get3A_485 : i32 to index
      %get3A_487 = arith.index_cast %scan3A_457 : i32 to index
      %get3A_488 = arith.constant 16 : index
      %get3A_489 = tpu.vector_load %arg8[%get3A_486, %get3A_487, %get3A_488] {strides = array<i32>} : memref<4x64x128xf32, #tpu.memory_space<vmem>>, vector<1x1x16xf32>,
      %get3A_490 = vector.shape_cast %get3A_489 : vector<1x1x16xf32> to vector<16xf32>
      %sub3A_491 = arith.subf %get3A_484, %get3A_490 : vector<16xf32>
      %mul3A_492 = arith.mulf %sub3A_491, %sub3A_491 : vector<16xf32>
      %add3A_493 = arith.addf %scan3A_459, %mul3A_492 : vector<16xf32>
      %get3A_494 = arith.constant 2 : i32
      %get3A_495 = arith.index_cast %get3A_494 : i32 to index
      %get3A_496 = arith.index_cast %scan3A_457 : i32 to index
      %get3A_497 = arith.constant 32 : index
      %get3A_498 = tpu.vector_load %arg7[%get3A_495, %get3A_496, %get3A_497] {strides = array<i32>} : memref<4x64x128xf32, #tpu.memory_space<vmem>>, vector<1x1x16xf32>,
      %get3A_499 = vector.shape_cast %get3A_498 : vector<1x1x16xf32> to vector<16xf32>
      %get3A_500 = arith.constant 2 : i32
      %get3A_501 = arith.index_cast %get3A_500 : i32 to index
      %get3A_502 = arith.index_cast %scan3A_457 : i32 to index
      %get3A_503 = arith.constant 32 : index
      %get3A_504 = tpu.vector_load %arg8[%get3A_501, %get3A_502, %get3A_503] {strides = array<i32>} : memref<4x64x128xf32, #tpu.memory_space<vmem>>, vector<1x1x16xf32>,
      %get3A_505 = vector.shape_cast %get3A_504 : vector<1x1x16xf32> to vector<16xf32>
      %sub3A_506 = arith.subf %get3A_499, %get3A_505 : vector<16xf32>
      %mul3A_507 = arith.mulf %sub3A_506, %sub3A_506 : vector<16xf32>
      %add3A_508 = arith.addf %scan3A_460, %mul3A_507 : vector<16xf32>
      %get3A_509 = arith.constant 2 : i32
      %get3A_510 = arith.index_cast %get3A_509 : i32 to index
      %get3A_511 = arith.index_cast %scan3A_457 : i32 to index
      %get3A_512 = arith.constant 48 : index
      %get3A_513 = tpu.vector_load %arg7[%get3A_510, %get3A_511, %get3A_512] {strides = array<i32>} : memref<4x64x128xf32, #tpu.memory_space<vmem>>, vector<1x1x16xf32>,
      %get3A_514 = vector.shape_cast %get3A_513 : vector<1x1x16xf32> to vector<16xf32>
      %get3A_515 = arith.constant 2 : i32
      %get3A_516 = arith.index_cast %get3A_515 : i32 to index
      %get3A_517 = arith.index_cast %scan3A_457 : i32 to index
      %get3A_518 = arith.constant 48 : index
      %get3A_519 = tpu.vector_load %arg8[%get3A_516, %get3A_517, %get3A_518] {strides = array<i32>} : memref<4x64x128xf32, #tpu.memory_space<vmem>>, vector<1x1x16xf32>,
      %get3A_520 = vector.shape_cast %get3A_519 : vector<1x1x16xf32> to vector<16xf32>
      %sub3A_521 = arith.subf %get3A_514, %get3A_520 : vector<16xf32>
      %mul3A_522 = arith.mulf %sub3A_521, %sub3A_521 : vector<16xf32>
      %add3A_523 = arith.addf %scan3A_461, %mul3A_522 : vector<16xf32>
      %get3A_524 = arith.constant 2 : i32
      %get3A_525 = arith.index_cast %get3A_524 : i32 to index
      %get3A_526 = arith.index_cast %scan3A_457 : i32 to index
      %get3A_527 = arith.constant 64 : index
      %get3A_528 = tpu.vector_load %arg7[%get3A_525, %get3A_526, %get3A_527] {strides = array<i32>} : memref<4x64x128xf32, #tpu.memory_space<vmem>>, vector<1x1x16xf32>,
      %get3A_529 = vector.shape_cast %get3A_528 : vector<1x1x16xf32> to vector<16xf32>
      %get3A_530 = arith.constant 2 : i32
      %get3A_531 = arith.index_cast %get3A_530 : i32 to index
      %get3A_532 = arith.index_cast %scan3A_457 : i32 to index
      %get3A_533 = arith.constant 64 : index
      %get3A_534 = tpu.vector_load %arg8[%get3A_531, %get3A_532, %get3A_533] {strides = array<i32>} : memref<4x64x128xf32, #tpu.memory_space<vmem>>, vector<1x1x16xf32>,
      %get3A_535 = vector.shape_cast %get3A_534 : vector<1x1x16xf32> to vector<16xf32>
      %sub3A_536 = arith.subf %get3A_529, %get3A_535 : vector<16xf32>
      %mul3A_537 = arith.mulf %sub3A_536, %sub3A_536 : vector<16xf32>
      %add3A_538 = arith.addf %scan3A_462, %mul3A_537 : vector<16xf32>
      %get3A_539 = arith.constant 2 : i32
      %get3A_540 = arith.index_cast %get3A_539 : i32 to index
      %get3A_541 = arith.index_cast %scan3A_457 : i32 to index
      %get3A_542 = arith.constant 80 : index
      %get3A_543 = tpu.vector_load %arg7[%get3A_540, %get3A_541, %get3A_542] {strides = array<i32>} : memref<4x64x128xf32, #tpu.memory_space<vmem>>, vector<1x1x16xf32>,
      %get3A_544 = vector.shape_cast %get3A_543 : vector<1x1x16xf32> to vector<16xf32>
      %get3A_545 = arith.constant 2 : i32
      %get3A_546 = arith.index_cast %get3A_545 : i32 to index
      %get3A_547 = arith.index_cast %scan3A_457 : i32 to index
      %get3A_548 = arith.constant 80 : index
      %get3A_549 = tpu.vector_load %arg8[%get3A_546, %get3A_547, %get3A_548] {strides = array<i32>} : memref<4x64x128xf32, #tpu.memory_space<vmem>>, vector<1x1x16xf32>,
      %get3A_550 = vector.shape_cast %get3A_549 : vector<1x1x16xf32> to vector<16xf32>
      %sub3A_551 = arith.subf %get3A_544, %get3A_550 : vector<16xf32>
      %mul3A_552 = arith.mulf %sub3A_551, %sub3A_551 : vector<16xf32>
      %add3A_553 = arith.addf %scan3A_463, %mul3A_552 : vector<16xf32>
      %get3A_554 = arith.constant 2 : i32
      %get3A_555 = arith.index_cast %get3A_554 : i32 to index
      %get3A_556 = arith.index_cast %scan3A_457 : i32 to index
      %get3A_557 = arith.constant 96 : index
      %get3A_558 = tpu.vector_load %arg7[%get3A_555, %get3A_556, %get3A_557] {strides = array<i32>} : memref<4x64x128xf32, #tpu.memory_space<vmem>>, vector<1x1x16xf32>,
      %get3A_559 = vector.shape_cast %get3A_558 : vector<1x1x16xf32> to vector<16xf32>
      %get3A_560 = arith.constant 2 : i32
      %get3A_561 = arith.index_cast %get3A_560 : i32 to index
      %get3A_562 = arith.index_cast %scan3A_457 : i32 to index
      %get3A_563 = arith.constant 96 : index
      %get3A_564 = tpu.vector_load %arg8[%get3A_561, %get3A_562, %get3A_563] {strides = array<i32>} : memref<4x64x128xf32, #tpu.memory_space<vmem>>, vector<1x1x16xf32>,
      %get3A_565 = vector.shape_cast %get3A_564 : vector<1x1x16xf32> to vector<16xf32>
      %sub3A_566 = arith.subf %get3A_559, %get3A_565 : vector<16xf32>
      %mul3A_567 = arith.mulf %sub3A_566, %sub3A_566 : vector<16xf32>
      %add3A_568 = arith.addf %scan3A_464, %mul3A_567 : vector<16xf32>
      %get3A_569 = arith.constant 2 : i32
      %get3A_570 = arith.index_cast %get3A_569 : i32 to index
      %get3A_571 = arith.index_cast %scan3A_457 : i32 to index
      %get3A_572 = arith.constant 112 : index
      %get3A_573 = tpu.vector_load %arg7[%get3A_570, %get3A_571, %get3A_572] {strides = array<i32>} : memref<4x64x128xf32, #tpu.memory_space<vmem>>, vector<1x1x16xf32>,
      %get3A_574 = vector.shape_cast %get3A_573 : vector<1x1x16xf32> to vector<16xf32>
      %get3A_575 = arith.constant 2 : i32
      %get3A_576 = arith.index_cast %get3A_575 : i32 to index
      %get3A_577 = arith.index_cast %scan3A_457 : i32 to index
      %get3A_578 = arith.constant 112 : index
      %get3A_579 = tpu.vector_load %arg8[%get3A_576, %get3A_577, %get3A_578] {strides = array<i32>} : memref<4x64x128xf32, #tpu.memory_space<vmem>>, vector<1x1x16xf32>,
      %get3A_580 = vector.shape_cast %get3A_579 : vector<1x1x16xf32> to vector<16xf32>
      %sub3A_581 = arith.subf %get3A_574, %get3A_580 : vector<16xf32>
      %mul3A_582 = arith.mulf %sub3A_581, %sub3A_581 : vector<16xf32>
      %add3A_583 = arith.addf %scan3A_465, %mul3A_582 : vector<16xf32>
      scf.yield %add3A_478, %add3A_493, %add3A_508, %add3A_523, %add3A_538, %add3A_553, %add3A_568, %add3A_583 : vector<16xf32>, vector<16xf32>, vector<16xf32>, vector<16xf32>, vector<16xf32>, vector<16xf32>, vector<16xf32>, vector<16xf32>
    }
    %scan3A_251 = arith.constant 64 : i32
    %dma_start3A_252 = arith.constant 2 : i32
    %dma_start3A_253 = arith.constant 0 : i32
    %dma_start3A_254 = arith.constant 0 : i32
    %dma_start3A_255 = tpu.memref_slice %arg8[%dma_start3A_252, %dma_start3A_253, %dma_start3A_254] : memref<4x64x128xf32, #tpu.memory_space<vmem>> -> memref<1x64x128xf32, #tpu.memory_space<vmem>>
    %dma_start3A_256 = tpu.memref_squeeze %dma_start3A_255 : memref<1x64x128xf32, #tpu.memory_space<vmem>> -> memref<64x128xf32, #tpu.memory_space<vmem>>
    %dma_start3A_257 = arith.constant 384 : i32
    %dma_start3A_258 = tpu.memref_slice %arg6[%dma_start3A_257] : memref<512xi32, #tpu.memory_space<vmem>> -> memref<64xi32, #tpu.memory_space<vmem>>
    %dma_start3A_259 = arith.constant 0 : i32
    %dma_start3A_260 = arith.constant 0 : i32
    %dma_start3A_261 = tpu.memref_slice %arg4[%dma_start3A_259, %dma_start3A_260] : memref<100000x128xf32, #tpu.memory_space<hbm>> -> memref<100000x128xf32, #tpu.memory_space<hbm>>
    tpu.enqueue_indirect_dma source(%dma_start3A_261 : memref<100000x128xf32, #tpu.memory_space<hbm>>) target(%dma_start3A_256 : memref<64x128xf32, #tpu.memory_space<vmem>>) offsets(%dma_start3A_258 : memref<64xi32, #tpu.memory_space<vmem>>) semaphore(%arg12 : memref<!tpu.dma_semaphore, #tpu.memory_space<semaphore_mem>>)
    %add3A_262 = arith.constant 384 : i32
    %add3A_263 = arith.addi %mul3A_2, %add3A_262 : i32
    %dma_start3A_264 = arith.constant 2 : i32
    %dma_start3A_265 = arith.constant 0 : i32
    %dma_start3A_266 = arith.constant 0 : i32
    %dma_start3A_267 = tpu.memref_slice %arg7[%dma_start3A_264, %dma_start3A_265, %dma_start3A_266] : memref<4x64x128xf32, #tpu.memory_space<vmem>> -> memref<1x64x128xf32, #tpu.memory_space<vmem>>
    %dma_start3A_268 = tpu.memref_squeeze %dma_start3A_267 : memref<1x64x128xf32, #tpu.memory_space<vmem>> -> memref<64x128xf32, #tpu.memory_space<vmem>>
    %dma_start3A_269 = arith.constant 0 : i32
    %dma_start3A_270 = tpu.memref_slice %arg2[%add3A_263, %dma_start3A_269] : memref<16384x128xf32, #tpu.memory_space<hbm>> -> memref<64x128xf32, #tpu.memory_space<hbm>>
    %dma_start3A_271 = arith.constant 0 : i32
    %dma_start3A_272 = arith.constant 0 : i32
    %dma_start3A_273 = tpu.memref_slice %arg7[%dma_start3A_264, %dma_start3A_271, %dma_start3A_272] : memref<4x64x128xf32, #tpu.memory_space<vmem>> -> memref<1x64x128xf32, #tpu.memory_space<vmem>>
    %dma_start3A_274 = tpu.memref_squeeze %dma_start3A_273 : memref<1x64x128xf32, #tpu.memory_space<vmem>> -> memref<64x128xf32, #tpu.memory_space<vmem>>
    %dma_start3A_275 = arith.constant 0 : i32
    %dma_start3A_276 = tpu.memref_slice %arg2[%add3A_263, %dma_start3A_275] : memref<16384x128xf32, #tpu.memory_space<hbm>> -> memref<64x128xf32, #tpu.memory_space<hbm>>
    tpu.enqueue_dma source(%dma_start3A_276 : memref<64x128xf32, #tpu.memory_space<hbm>>) target(%dma_start3A_274 : memref<64x128xf32, #tpu.memory_space<vmem>>) target_semaphore(%arg12 : memref<!tpu.dma_semaphore, #tpu.memory_space<semaphore_mem>>)
    %dma_wait3A_277 = arith.constant 3 : i32
    %dma_wait3A_278 = arith.constant 0 : i32
    %dma_wait3A_279 = arith.constant 0 : i32
    %dma_wait3A_280 = tpu.memref_slice %arg8[%dma_wait3A_277, %dma_wait3A_278, %dma_wait3A_279] : memref<4x64x128xf32, #tpu.memory_space<vmem>> -> memref<1x64x128xf32, #tpu.memory_space<vmem>>
    %dma_wait3A_281 = tpu.memref_squeeze %dma_wait3A_280 : memref<1x64x128xf32, #tpu.memory_space<vmem>> -> memref<64x128xf32, #tpu.memory_space<vmem>>
    %dma_wait3A_282 = arith.constant 192 : i32
    %dma_wait3A_283 = tpu.memref_slice %arg6[%dma_wait3A_282] : memref<512xi32, #tpu.memory_space<vmem>> -> memref<64xi32, #tpu.memory_space<vmem>>
    %dma_wait3A_284 = arith.constant 0 : i32
    %dma_wait3A_285 = arith.constant 0 : i32
    %dma_wait3A_286 = tpu.memref_slice %arg4[%dma_wait3A_284, %dma_wait3A_285] : memref<100000x128xf32, #tpu.memory_space<hbm>> -> memref<100000x128xf32, #tpu.memory_space<hbm>>
    tpu.wait_indirect_dma semaphore(%arg13 : memref<!tpu.dma_semaphore, #tpu.memory_space<semaphore_mem>>) src(%dma_wait3A_286 : memref<100000x128xf32, #tpu.memory_space<hbm>>) dst(%dma_wait3A_281 : memref<64x128xf32, #tpu.memory_space<vmem>>)
    %dma_wait3A_287 = arith.constant 3 : i32
    %dma_wait3A_288 = arith.constant 0 : i32
    %dma_wait3A_289 = arith.constant 0 : i32
    %dma_wait3A_290 = tpu.memref_slice %arg7[%dma_wait3A_287, %dma_wait3A_288, %dma_wait3A_289] : memref<4x64x128xf32, #tpu.memory_space<vmem>> -> memref<1x64x128xf32, #tpu.memory_space<vmem>>
    %dma_wait3A_291 = tpu.memref_squeeze %dma_wait3A_290 : memref<1x64x128xf32, #tpu.memory_space<vmem>> -> memref<64x128xf32, #tpu.memory_space<vmem>>
    %dma_wait3A_292 = arith.constant 0 : i32
    %dma_wait3A_293 = tpu.memref_slice %arg2[%add3A_103, %dma_wait3A_292] : memref<16384x128xf32, #tpu.memory_space<hbm>> -> memref<64x128xf32, #tpu.memory_space<hbm>>
    %dma_wait3A_294 = arith.constant 0 : i32
    %dma_wait3A_295 = arith.constant 0 : i32
    %dma_wait3A_296 = tpu.memref_slice %arg7[%dma_wait3A_287, %dma_wait3A_294, %dma_wait3A_295] : memref<4x64x128xf32, #tpu.memory_space<vmem>> -> memref<1x64x128xf32, #tpu.memory_space<vmem>>
    %dma_wait3A_297 = tpu.memref_squeeze %dma_wait3A_296 : memref<1x64x128xf32, #tpu.memory_space<vmem>> -> memref<64x128xf32, #tpu.memory_space<vmem>>
    %dma_wait3A_298 = arith.constant 0 : i32
    %dma_wait3A_299 = tpu.memref_slice %arg2[%add3A_103, %dma_wait3A_298] : memref<16384x128xf32, #tpu.memory_space<hbm>> -> memref<64x128xf32, #tpu.memory_space<hbm>>
    tpu.wait_dma2 semaphore(%arg13 : memref<!tpu.dma_semaphore, #tpu.memory_space<semaphore_mem>>) src(%dma_wait3A_299 : memref<64x128xf32, #tpu.memory_space<hbm>>) dst(%dma_wait3A_297 : memref<64x128xf32, #tpu.memory_space<vmem>>)
    %scan3A_300 = arith.constant 0 : i32
    %scan3A_301 = arith.constant 64 : i32
    %scan3A_302 = arith.addi %scan3A_300, %scan3A_301 : i32
    %scan3A_303 = arith.constant 1 : i32
    %scan3A_304:8 = scf.for %scan3A_457 = %scan3A_300 to %scan3A_302 step %scan3A_303 iter_args(%scan3A_458 = %scan3A_250#0, %scan3A_459 = %scan3A_250#1, %scan3A_460 = %scan3A_250#2, %scan3A_461 = %scan3A_250#3, %scan3A_462 = %scan3A_250#4, %scan3A_463 = %scan3A_250#5, %scan3A_464 = %scan3A_250#6, %scan3A_465 = %scan3A_250#7) -> (vector<16xf32>, vector<16xf32>, vector<16xf32>, vector<16xf32>, vector<16xf32>, vector<16xf32>, vector<16xf32>, vector<16xf32>)  : i32 {
      %get3A = arith.constant 3 : i32
      %get3A_466 = arith.index_cast %get3A : i32 to index
      %get3A_467 = arith.index_cast %scan3A_457 : i32 to index
      %get3A_468 = arith.constant 0 : index
      %get3A_469 = tpu.vector_load %arg7[%get3A_466, %get3A_467, %get3A_468] {strides = array<i32>} : memref<4x64x128xf32, #tpu.memory_space<vmem>>, vector<1x1x16xf32>,
      %get3A_470 = vector.shape_cast %get3A_469 : vector<1x1x16xf32> to vector<16xf32>
      %get3A_471 = arith.constant 3 : i32
      %get3A_472 = arith.index_cast %get3A_471 : i32 to index
      %get3A_473 = arith.index_cast %scan3A_457 : i32 to index
      %get3A_474 = arith.constant 0 : index
      %get3A_475 = tpu.vector_load %arg8[%get3A_472, %get3A_473, %get3A_474] {strides = array<i32>} : memref<4x64x128xf32, #tpu.memory_space<vmem>>, vector<1x1x16xf32>,
      %get3A_476 = vector.shape_cast %get3A_475 : vector<1x1x16xf32> to vector<16xf32>
      %sub3A = arith.subf %get3A_470, %get3A_476 : vector<16xf32>
      %mul3A_477 = arith.mulf %sub3A, %sub3A : vector<16xf32>
      %add3A_478 = arith.addf %scan3A_458, %mul3A_477 : vector<16xf32>
      %get3A_479 = arith.constant 3 : i32
      %get3A_480 = arith.index_cast %get3A_479 : i32 to index
      %get3A_481 = arith.index_cast %scan3A_457 : i32 to index
      %get3A_482 = arith.constant 16 : index
      %get3A_483 = tpu.vector_load %arg7[%get3A_480, %get3A_481, %get3A_482] {strides = array<i32>} : memref<4x64x128xf32, #tpu.memory_space<vmem>>, vector<1x1x16xf32>,
      %get3A_484 = vector.shape_cast %get3A_483 : vector<1x1x16xf32> to vector<16xf32>
      %get3A_485 = arith.constant 3 : i32
      %get3A_486 = arith.index_cast %get3A_485 : i32 to index
      %get3A_487 = arith.index_cast %scan3A_457 : i32 to index
      %get3A_488 = arith.constant 16 : index
      %get3A_489 = tpu.vector_load %arg8[%get3A_486, %get3A_487, %get3A_488] {strides = array<i32>} : memref<4x64x128xf32, #tpu.memory_space<vmem>>, vector<1x1x16xf32>,
      %get3A_490 = vector.shape_cast %get3A_489 : vector<1x1x16xf32> to vector<16xf32>
      %sub3A_491 = arith.subf %get3A_484, %get3A_490 : vector<16xf32>
      %mul3A_492 = arith.mulf %sub3A_491, %sub3A_491 : vector<16xf32>
      %add3A_493 = arith.addf %scan3A_459, %mul3A_492 : vector<16xf32>
      %get3A_494 = arith.constant 3 : i32
      %get3A_495 = arith.index_cast %get3A_494 : i32 to index
      %get3A_496 = arith.index_cast %scan3A_457 : i32 to index
      %get3A_497 = arith.constant 32 : index
      %get3A_498 = tpu.vector_load %arg7[%get3A_495, %get3A_496, %get3A_497] {strides = array<i32>} : memref<4x64x128xf32, #tpu.memory_space<vmem>>, vector<1x1x16xf32>,
      %get3A_499 = vector.shape_cast %get3A_498 : vector<1x1x16xf32> to vector<16xf32>
      %get3A_500 = arith.constant 3 : i32
      %get3A_501 = arith.index_cast %get3A_500 : i32 to index
      %get3A_502 = arith.index_cast %scan3A_457 : i32 to index
      %get3A_503 = arith.constant 32 : index
      %get3A_504 = tpu.vector_load %arg8[%get3A_501, %get3A_502, %get3A_503] {strides = array<i32>} : memref<4x64x128xf32, #tpu.memory_space<vmem>>, vector<1x1x16xf32>,
      %get3A_505 = vector.shape_cast %get3A_504 : vector<1x1x16xf32> to vector<16xf32>
      %sub3A_506 = arith.subf %get3A_499, %get3A_505 : vector<16xf32>
      %mul3A_507 = arith.mulf %sub3A_506, %sub3A_506 : vector<16xf32>
      %add3A_508 = arith.addf %scan3A_460, %mul3A_507 : vector<16xf32>
      %get3A_509 = arith.constant 3 : i32
      %get3A_510 = arith.index_cast %get3A_509 : i32 to index
      %get3A_511 = arith.index_cast %scan3A_457 : i32 to index
      %get3A_512 = arith.constant 48 : index
      %get3A_513 = tpu.vector_load %arg7[%get3A_510, %get3A_511, %get3A_512] {strides = array<i32>} : memref<4x64x128xf32, #tpu.memory_space<vmem>>, vector<1x1x16xf32>,
      %get3A_514 = vector.shape_cast %get3A_513 : vector<1x1x16xf32> to vector<16xf32>
      %get3A_515 = arith.constant 3 : i32
      %get3A_516 = arith.index_cast %get3A_515 : i32 to index
      %get3A_517 = arith.index_cast %scan3A_457 : i32 to index
      %get3A_518 = arith.constant 48 : index
      %get3A_519 = tpu.vector_load %arg8[%get3A_516, %get3A_517, %get3A_518] {strides = array<i32>} : memref<4x64x128xf32, #tpu.memory_space<vmem>>, vector<1x1x16xf32>,
      %get3A_520 = vector.shape_cast %get3A_519 : vector<1x1x16xf32> to vector<16xf32>
      %sub3A_521 = arith.subf %get3A_514, %get3A_520 : vector<16xf32>
      %mul3A_522 = arith.mulf %sub3A_521, %sub3A_521 : vector<16xf32>
      %add3A_523 = arith.addf %scan3A_461, %mul3A_522 : vector<16xf32>
      %get3A_524 = arith.constant 3 : i32
      %get3A_525 = arith.index_cast %get3A_524 : i32 to index
      %get3A_526 = arith.index_cast %scan3A_457 : i32 to index
      %get3A_527 = arith.constant 64 : index
      %get3A_528 = tpu.vector_load %arg7[%get3A_525, %get3A_526, %get3A_527] {strides = array<i32>} : memref<4x64x128xf32, #tpu.memory_space<vmem>>, vector<1x1x16xf32>,
      %get3A_529 = vector.shape_cast %get3A_528 : vector<1x1x16xf32> to vector<16xf32>
      %get3A_530 = arith.constant 3 : i32
      %get3A_531 = arith.index_cast %get3A_530 : i32 to index
      %get3A_532 = arith.index_cast %scan3A_457 : i32 to index
      %get3A_533 = arith.constant 64 : index
      %get3A_534 = tpu.vector_load %arg8[%get3A_531, %get3A_532, %get3A_533] {strides = array<i32>} : memref<4x64x128xf32, #tpu.memory_space<vmem>>, vector<1x1x16xf32>,
      %get3A_535 = vector.shape_cast %get3A_534 : vector<1x1x16xf32> to vector<16xf32>
      %sub3A_536 = arith.subf %get3A_529, %get3A_535 : vector<16xf32>
      %mul3A_537 = arith.mulf %sub3A_536, %sub3A_536 : vector<16xf32>
      %add3A_538 = arith.addf %scan3A_462, %mul3A_537 : vector<16xf32>
      %get3A_539 = arith.constant 3 : i32
      %get3A_540 = arith.index_cast %get3A_539 : i32 to index
      %get3A_541 = arith.index_cast %scan3A_457 : i32 to index
      %get3A_542 = arith.constant 80 : index
      %get3A_543 = tpu.vector_load %arg7[%get3A_540, %get3A_541, %get3A_542] {strides = array<i32>} : memref<4x64x128xf32, #tpu.memory_space<vmem>>, vector<1x1x16xf32>,
      %get3A_544 = vector.shape_cast %get3A_543 : vector<1x1x16xf32> to vector<16xf32>
      %get3A_545 = arith.constant 3 : i32
      %get3A_546 = arith.index_cast %get3A_545 : i32 to index
      %get3A_547 = arith.index_cast %scan3A_457 : i32 to index
      %get3A_548 = arith.constant 80 : index
      %get3A_549 = tpu.vector_load %arg8[%get3A_546, %get3A_547, %get3A_548] {strides = array<i32>} : memref<4x64x128xf32, #tpu.memory_space<vmem>>, vector<1x1x16xf32>,
      %get3A_550 = vector.shape_cast %get3A_549 : vector<1x1x16xf32> to vector<16xf32>
      %sub3A_551 = arith.subf %get3A_544, %get3A_550 : vector<16xf32>
      %mul3A_552 = arith.mulf %sub3A_551, %sub3A_551 : vector<16xf32>
      %add3A_553 = arith.addf %scan3A_463, %mul3A_552 : vector<16xf32>
      %get3A_554 = arith.constant 3 : i32
      %get3A_555 = arith.index_cast %get3A_554 : i32 to index
      %get3A_556 = arith.index_cast %scan3A_457 : i32 to index
      %get3A_557 = arith.constant 96 : index
      %get3A_558 = tpu.vector_load %arg7[%get3A_555, %get3A_556, %get3A_557] {strides = array<i32>} : memref<4x64x128xf32, #tpu.memory_space<vmem>>, vector<1x1x16xf32>,
      %get3A_559 = vector.shape_cast %get3A_558 : vector<1x1x16xf32> to vector<16xf32>
      %get3A_560 = arith.constant 3 : i32
      %get3A_561 = arith.index_cast %get3A_560 : i32 to index
      %get3A_562 = arith.index_cast %scan3A_457 : i32 to index
      %get3A_563 = arith.constant 96 : index
      %get3A_564 = tpu.vector_load %arg8[%get3A_561, %get3A_562, %get3A_563] {strides = array<i32>} : memref<4x64x128xf32, #tpu.memory_space<vmem>>, vector<1x1x16xf32>,
      %get3A_565 = vector.shape_cast %get3A_564 : vector<1x1x16xf32> to vector<16xf32>
      %sub3A_566 = arith.subf %get3A_559, %get3A_565 : vector<16xf32>
      %mul3A_567 = arith.mulf %sub3A_566, %sub3A_566 : vector<16xf32>
      %add3A_568 = arith.addf %scan3A_464, %mul3A_567 : vector<16xf32>
      %get3A_569 = arith.constant 3 : i32
      %get3A_570 = arith.index_cast %get3A_569 : i32 to index
      %get3A_571 = arith.index_cast %scan3A_457 : i32 to index
      %get3A_572 = arith.constant 112 : index
      %get3A_573 = tpu.vector_load %arg7[%get3A_570, %get3A_571, %get3A_572] {strides = array<i32>} : memref<4x64x128xf32, #tpu.memory_space<vmem>>, vector<1x1x16xf32>,
      %get3A_574 = vector.shape_cast %get3A_573 : vector<1x1x16xf32> to vector<16xf32>
      %get3A_575 = arith.constant 3 : i32
      %get3A_576 = arith.index_cast %get3A_575 : i32 to index
      %get3A_577 = arith.index_cast %scan3A_457 : i32 to index
      %get3A_578 = arith.constant 112 : index
      %get3A_579 = tpu.vector_load %arg8[%get3A_576, %get3A_577, %get3A_578] {strides = array<i32>} : memref<4x64x128xf32, #tpu.memory_space<vmem>>, vector<1x1x16xf32>,
      %get3A_580 = vector.shape_cast %get3A_579 : vector<1x1x16xf32> to vector<16xf32>
      %sub3A_581 = arith.subf %get3A_574, %get3A_580 : vector<16xf32>
      %mul3A_582 = arith.mulf %sub3A_581, %sub3A_581 : vector<16xf32>
      %add3A_583 = arith.addf %scan3A_465, %mul3A_582 : vector<16xf32>
      scf.yield %add3A_478, %add3A_493, %add3A_508, %add3A_523, %add3A_538, %add3A_553, %add3A_568, %add3A_583 : vector<16xf32>, vector<16xf32>, vector<16xf32>, vector<16xf32>, vector<16xf32>, vector<16xf32>, vector<16xf32>, vector<16xf32>
    }
    %scan3A_305 = arith.constant 64 : i32
    %dma_start3A_306 = arith.constant 3 : i32
    %dma_start3A_307 = arith.constant 0 : i32
    %dma_start3A_308 = arith.constant 0 : i32
    %dma_start3A_309 = tpu.memref_slice %arg8[%dma_start3A_306, %dma_start3A_307, %dma_start3A_308] : memref<4x64x128xf32, #tpu.memory_space<vmem>> -> memref<1x64x128xf32, #tpu.memory_space<vmem>>
    %dma_start3A_310 = tpu.memref_squeeze %dma_start3A_309 : memref<1x64x128xf32, #tpu.memory_space<vmem>> -> memref<64x128xf32, #tpu.memory_space<vmem>>
    %dma_start3A_311 = arith.constant 448 : i32
    %dma_start3A_312 = tpu.memref_slice %arg6[%dma_start3A_311] : memref<512xi32, #tpu.memory_space<vmem>> -> memref<64xi32, #tpu.memory_space<vmem>>
    %dma_start3A_313 = arith.constant 0 : i32
    %dma_start3A_314 = arith.constant 0 : i32
    %dma_start3A_315 = tpu.memref_slice %arg4[%dma_start3A_313, %dma_start3A_314] : memref<100000x128xf32, #tpu.memory_space<hbm>> -> memref<100000x128xf32, #tpu.memory_space<hbm>>
    tpu.enqueue_indirect_dma source(%dma_start3A_315 : memref<100000x128xf32, #tpu.memory_space<hbm>>) target(%dma_start3A_310 : memref<64x128xf32, #tpu.memory_space<vmem>>) offsets(%dma_start3A_312 : memref<64xi32, #tpu.memory_space<vmem>>) semaphore(%arg13 : memref<!tpu.dma_semaphore, #tpu.memory_space<semaphore_mem>>)
    %add3A_316 = arith.constant 448 : i32
    %add3A_317 = arith.addi %mul3A_2, %add3A_316 : i32
    %dma_start3A_318 = arith.constant 3 : i32
    %dma_start3A_319 = arith.constant 0 : i32
    %dma_start3A_320 = arith.constant 0 : i32
    %dma_start3A_321 = tpu.memref_slice %arg7[%dma_start3A_318, %dma_start3A_319, %dma_start3A_320] : memref<4x64x128xf32, #tpu.memory_space<vmem>> -> memref<1x64x128xf32, #tpu.memory_space<vmem>>
    %dma_start3A_322 = tpu.memref_squeeze %dma_start3A_321 : memref<1x64x128xf32, #tpu.memory_space<vmem>> -> memref<64x128xf32, #tpu.memory_space<vmem>>
    %dma_start3A_323 = arith.constant 0 : i32
    %dma_start3A_324 = tpu.memref_slice %arg2[%add3A_317, %dma_start3A_323] : memref<16384x128xf32, #tpu.memory_space<hbm>> -> memref<64x128xf32, #tpu.memory_space<hbm>>
    %dma_start3A_325 = arith.constant 0 : i32
    %dma_start3A_326 = arith.constant 0 : i32
    %dma_start3A_327 = tpu.memref_slice %arg7[%dma_start3A_318, %dma_start3A_325, %dma_start3A_326] : memref<4x64x128xf32, #tpu.memory_space<vmem>> -> memref<1x64x128xf32, #tpu.memory_space<vmem>>
    %dma_start3A_328 = tpu.memref_squeeze %dma_start3A_327 : memref<1x64x128xf32, #tpu.memory_space<vmem>> -> memref<64x128xf32, #tpu.memory_space<vmem>>
    %dma_start3A_329 = arith.constant 0 : i32
    %dma_start3A_330 = tpu.memref_slice %arg2[%add3A_317, %dma_start3A_329] : memref<16384x128xf32, #tpu.memory_space<hbm>> -> memref<64x128xf32, #tpu.memory_space<hbm>>
    tpu.enqueue_dma source(%dma_start3A_330 : memref<64x128xf32, #tpu.memory_space<hbm>>) target(%dma_start3A_328 : memref<64x128xf32, #tpu.memory_space<vmem>>) target_semaphore(%arg13 : memref<!tpu.dma_semaphore, #tpu.memory_space<semaphore_mem>>)
    %dma_wait3A_331 = arith.constant 0 : i32
    %dma_wait3A_332 = arith.constant 0 : i32
    %dma_wait3A_333 = arith.constant 0 : i32
    %dma_wait3A_334 = tpu.memref_slice %arg8[%dma_wait3A_331, %dma_wait3A_332, %dma_wait3A_333] : memref<4x64x128xf32, #tpu.memory_space<vmem>> -> memref<1x64x128xf32, #tpu.memory_space<vmem>>
    %dma_wait3A_335 = tpu.memref_squeeze %dma_wait3A_334 : memref<1x64x128xf32, #tpu.memory_space<vmem>> -> memref<64x128xf32, #tpu.memory_space<vmem>>
    %dma_wait3A_336 = arith.constant 256 : i32
    %dma_wait3A_337 = tpu.memref_slice %arg6[%dma_wait3A_336] : memref<512xi32, #tpu.memory_space<vmem>> -> memref<64xi32, #tpu.memory_space<vmem>>
    %dma_wait3A_338 = arith.constant 0 : i32
    %dma_wait3A_339 = arith.constant 0 : i32
    %dma_wait3A_340 = tpu.memref_slice %arg4[%dma_wait3A_338, %dma_wait3A_339] : memref<100000x128xf32, #tpu.memory_space<hbm>> -> memref<100000x128xf32, #tpu.memory_space<hbm>>
    tpu.wait_indirect_dma semaphore(%arg10 : memref<!tpu.dma_semaphore, #tpu.memory_space<semaphore_mem>>) src(%dma_wait3A_340 : memref<100000x128xf32, #tpu.memory_space<hbm>>) dst(%dma_wait3A_335 : memref<64x128xf32, #tpu.memory_space<vmem>>)
    %dma_wait3A_341 = arith.constant 0 : i32
    %dma_wait3A_342 = arith.constant 0 : i32
    %dma_wait3A_343 = arith.constant 0 : i32
    %dma_wait3A_344 = tpu.memref_slice %arg7[%dma_wait3A_341, %dma_wait3A_342, %dma_wait3A_343] : memref<4x64x128xf32, #tpu.memory_space<vmem>> -> memref<1x64x128xf32, #tpu.memory_space<vmem>>
    %dma_wait3A_345 = tpu.memref_squeeze %dma_wait3A_344 : memref<1x64x128xf32, #tpu.memory_space<vmem>> -> memref<64x128xf32, #tpu.memory_space<vmem>>
    %dma_wait3A_346 = arith.constant 0 : i32
    %dma_wait3A_347 = tpu.memref_slice %arg2[%add3A_155, %dma_wait3A_346] : memref<16384x128xf32, #tpu.memory_space<hbm>> -> memref<64x128xf32, #tpu.memory_space<hbm>>
    %dma_wait3A_348 = arith.constant 0 : i32
    %dma_wait3A_349 = arith.constant 0 : i32
    %dma_wait3A_350 = tpu.memref_slice %arg7[%dma_wait3A_341, %dma_wait3A_348, %dma_wait3A_349] : memref<4x64x128xf32, #tpu.memory_space<vmem>> -> memref<1x64x128xf32, #tpu.memory_space<vmem>>
    %dma_wait3A_351 = tpu.memref_squeeze %dma_wait3A_350 : memref<1x64x128xf32, #tpu.memory_space<vmem>> -> memref<64x128xf32, #tpu.memory_space<vmem>>
    %dma_wait3A_352 = arith.constant 0 : i32
    %dma_wait3A_353 = tpu.memref_slice %arg2[%add3A_155, %dma_wait3A_352] : memref<16384x128xf32, #tpu.memory_space<hbm>> -> memref<64x128xf32, #tpu.memory_space<hbm>>
    tpu.wait_dma2 semaphore(%arg10 : memref<!tpu.dma_semaphore, #tpu.memory_space<semaphore_mem>>) src(%dma_wait3A_353 : memref<64x128xf32, #tpu.memory_space<hbm>>) dst(%dma_wait3A_351 : memref<64x128xf32, #tpu.memory_space<vmem>>)
    %scan3A_354 = arith.constant 0 : i32
    %scan3A_355 = arith.constant 64 : i32
    %scan3A_356 = arith.addi %scan3A_354, %scan3A_355 : i32
    %scan3A_357 = arith.constant 1 : i32
    %scan3A_358:8 = scf.for %scan3A_457 = %scan3A_354 to %scan3A_356 step %scan3A_357 iter_args(%scan3A_458 = %scan3A_304#0, %scan3A_459 = %scan3A_304#1, %scan3A_460 = %scan3A_304#2, %scan3A_461 = %scan3A_304#3, %scan3A_462 = %scan3A_304#4, %scan3A_463 = %scan3A_304#5, %scan3A_464 = %scan3A_304#6, %scan3A_465 = %scan3A_304#7) -> (vector<16xf32>, vector<16xf32>, vector<16xf32>, vector<16xf32>, vector<16xf32>, vector<16xf32>, vector<16xf32>, vector<16xf32>)  : i32 {
      %get3A = arith.constant 0 : i32
      %get3A_466 = arith.index_cast %get3A : i32 to index
      %get3A_467 = arith.index_cast %scan3A_457 : i32 to index
      %get3A_468 = arith.constant 0 : index
      %get3A_469 = tpu.vector_load %arg7[%get3A_466, %get3A_467, %get3A_468] {strides = array<i32>} : memref<4x64x128xf32, #tpu.memory_space<vmem>>, vector<1x1x16xf32>,
      %get3A_470 = vector.shape_cast %get3A_469 : vector<1x1x16xf32> to vector<16xf32>
      %get3A_471 = arith.constant 0 : i32
      %get3A_472 = arith.index_cast %get3A_471 : i32 to index
      %get3A_473 = arith.index_cast %scan3A_457 : i32 to index
      %get3A_474 = arith.constant 0 : index
      %get3A_475 = tpu.vector_load %arg8[%get3A_472, %get3A_473, %get3A_474] {strides = array<i32>} : memref<4x64x128xf32, #tpu.memory_space<vmem>>, vector<1x1x16xf32>,
      %get3A_476 = vector.shape_cast %get3A_475 : vector<1x1x16xf32> to vector<16xf32>
      %sub3A = arith.subf %get3A_470, %get3A_476 : vector<16xf32>
      %mul3A_477 = arith.mulf %sub3A, %sub3A : vector<16xf32>
      %add3A_478 = arith.addf %scan3A_458, %mul3A_477 : vector<16xf32>
      %get3A_479 = arith.constant 0 : i32
      %get3A_480 = arith.index_cast %get3A_479 : i32 to index
      %get3A_481 = arith.index_cast %scan3A_457 : i32 to index
      %get3A_482 = arith.constant 16 : index
      %get3A_483 = tpu.vector_load %arg7[%get3A_480, %get3A_481, %get3A_482] {strides = array<i32>} : memref<4x64x128xf32, #tpu.memory_space<vmem>>, vector<1x1x16xf32>,
      %get3A_484 = vector.shape_cast %get3A_483 : vector<1x1x16xf32> to vector<16xf32>
      %get3A_485 = arith.constant 0 : i32
      %get3A_486 = arith.index_cast %get3A_485 : i32 to index
      %get3A_487 = arith.index_cast %scan3A_457 : i32 to index
      %get3A_488 = arith.constant 16 : index
      %get3A_489 = tpu.vector_load %arg8[%get3A_486, %get3A_487, %get3A_488] {strides = array<i32>} : memref<4x64x128xf32, #tpu.memory_space<vmem>>, vector<1x1x16xf32>,
      %get3A_490 = vector.shape_cast %get3A_489 : vector<1x1x16xf32> to vector<16xf32>
      %sub3A_491 = arith.subf %get3A_484, %get3A_490 : vector<16xf32>
      %mul3A_492 = arith.mulf %sub3A_491, %sub3A_491 : vector<16xf32>
      %add3A_493 = arith.addf %scan3A_459, %mul3A_492 : vector<16xf32>
      %get3A_494 = arith.constant 0 : i32
      %get3A_495 = arith.index_cast %get3A_494 : i32 to index
      %get3A_496 = arith.index_cast %scan3A_457 : i32 to index
      %get3A_497 = arith.constant 32 : index
      %get3A_498 = tpu.vector_load %arg7[%get3A_495, %get3A_496, %get3A_497] {strides = array<i32>} : memref<4x64x128xf32, #tpu.memory_space<vmem>>, vector<1x1x16xf32>,
      %get3A_499 = vector.shape_cast %get3A_498 : vector<1x1x16xf32> to vector<16xf32>
      %get3A_500 = arith.constant 0 : i32
      %get3A_501 = arith.index_cast %get3A_500 : i32 to index
      %get3A_502 = arith.index_cast %scan3A_457 : i32 to index
      %get3A_503 = arith.constant 32 : index
      %get3A_504 = tpu.vector_load %arg8[%get3A_501, %get3A_502, %get3A_503] {strides = array<i32>} : memref<4x64x128xf32, #tpu.memory_space<vmem>>, vector<1x1x16xf32>,
      %get3A_505 = vector.shape_cast %get3A_504 : vector<1x1x16xf32> to vector<16xf32>
      %sub3A_506 = arith.subf %get3A_499, %get3A_505 : vector<16xf32>
      %mul3A_507 = arith.mulf %sub3A_506, %sub3A_506 : vector<16xf32>
      %add3A_508 = arith.addf %scan3A_460, %mul3A_507 : vector<16xf32>
      %get3A_509 = arith.constant 0 : i32
      %get3A_510 = arith.index_cast %get3A_509 : i32 to index
      %get3A_511 = arith.index_cast %scan3A_457 : i32 to index
      %get3A_512 = arith.constant 48 : index
      %get3A_513 = tpu.vector_load %arg7[%get3A_510, %get3A_511, %get3A_512] {strides = array<i32>} : memref<4x64x128xf32, #tpu.memory_space<vmem>>, vector<1x1x16xf32>,
      %get3A_514 = vector.shape_cast %get3A_513 : vector<1x1x16xf32> to vector<16xf32>
      %get3A_515 = arith.constant 0 : i32
      %get3A_516 = arith.index_cast %get3A_515 : i32 to index
      %get3A_517 = arith.index_cast %scan3A_457 : i32 to index
      %get3A_518 = arith.constant 48 : index
      %get3A_519 = tpu.vector_load %arg8[%get3A_516, %get3A_517, %get3A_518] {strides = array<i32>} : memref<4x64x128xf32, #tpu.memory_space<vmem>>, vector<1x1x16xf32>,
      %get3A_520 = vector.shape_cast %get3A_519 : vector<1x1x16xf32> to vector<16xf32>
      %sub3A_521 = arith.subf %get3A_514, %get3A_520 : vector<16xf32>
      %mul3A_522 = arith.mulf %sub3A_521, %sub3A_521 : vector<16xf32>
      %add3A_523 = arith.addf %scan3A_461, %mul3A_522 : vector<16xf32>
      %get3A_524 = arith.constant 0 : i32
      %get3A_525 = arith.index_cast %get3A_524 : i32 to index
      %get3A_526 = arith.index_cast %scan3A_457 : i32 to index
      %get3A_527 = arith.constant 64 : index
      %get3A_528 = tpu.vector_load %arg7[%get3A_525, %get3A_526, %get3A_527] {strides = array<i32>} : memref<4x64x128xf32, #tpu.memory_space<vmem>>, vector<1x1x16xf32>,
      %get3A_529 = vector.shape_cast %get3A_528 : vector<1x1x16xf32> to vector<16xf32>
      %get3A_530 = arith.constant 0 : i32
      %get3A_531 = arith.index_cast %get3A_530 : i32 to index
      %get3A_532 = arith.index_cast %scan3A_457 : i32 to index
      %get3A_533 = arith.constant 64 : index
      %get3A_534 = tpu.vector_load %arg8[%get3A_531, %get3A_532, %get3A_533] {strides = array<i32>} : memref<4x64x128xf32, #tpu.memory_space<vmem>>, vector<1x1x16xf32>,
      %get3A_535 = vector.shape_cast %get3A_534 : vector<1x1x16xf32> to vector<16xf32>
      %sub3A_536 = arith.subf %get3A_529, %get3A_535 : vector<16xf32>
      %mul3A_537 = arith.mulf %sub3A_536, %sub3A_536 : vector<16xf32>
      %add3A_538 = arith.addf %scan3A_462, %mul3A_537 : vector<16xf32>
      %get3A_539 = arith.constant 0 : i32
      %get3A_540 = arith.index_cast %get3A_539 : i32 to index
      %get3A_541 = arith.index_cast %scan3A_457 : i32 to index
      %get3A_542 = arith.constant 80 : index
      %get3A_543 = tpu.vector_load %arg7[%get3A_540, %get3A_541, %get3A_542] {strides = array<i32>} : memref<4x64x128xf32, #tpu.memory_space<vmem>>, vector<1x1x16xf32>,
      %get3A_544 = vector.shape_cast %get3A_543 : vector<1x1x16xf32> to vector<16xf32>
      %get3A_545 = arith.constant 0 : i32
      %get3A_546 = arith.index_cast %get3A_545 : i32 to index
      %get3A_547 = arith.index_cast %scan3A_457 : i32 to index
      %get3A_548 = arith.constant 80 : index
      %get3A_549 = tpu.vector_load %arg8[%get3A_546, %get3A_547, %get3A_548] {strides = array<i32>} : memref<4x64x128xf32, #tpu.memory_space<vmem>>, vector<1x1x16xf32>,
      %get3A_550 = vector.shape_cast %get3A_549 : vector<1x1x16xf32> to vector<16xf32>
      %sub3A_551 = arith.subf %get3A_544, %get3A_550 : vector<16xf32>
      %mul3A_552 = arith.mulf %sub3A_551, %sub3A_551 : vector<16xf32>
      %add3A_553 = arith.addf %scan3A_463, %mul3A_552 : vector<16xf32>
      %get3A_554 = arith.constant 0 : i32
      %get3A_555 = arith.index_cast %get3A_554 : i32 to index
      %get3A_556 = arith.index_cast %scan3A_457 : i32 to index
      %get3A_557 = arith.constant 96 : index
      %get3A_558 = tpu.vector_load %arg7[%get3A_555, %get3A_556, %get3A_557] {strides = array<i32>} : memref<4x64x128xf32, #tpu.memory_space<vmem>>, vector<1x1x16xf32>,
      %get3A_559 = vector.shape_cast %get3A_558 : vector<1x1x16xf32> to vector<16xf32>
      %get3A_560 = arith.constant 0 : i32
      %get3A_561 = arith.index_cast %get3A_560 : i32 to index
      %get3A_562 = arith.index_cast %scan3A_457 : i32 to index
      %get3A_563 = arith.constant 96 : index
      %get3A_564 = tpu.vector_load %arg8[%get3A_561, %get3A_562, %get3A_563] {strides = array<i32>} : memref<4x64x128xf32, #tpu.memory_space<vmem>>, vector<1x1x16xf32>,
      %get3A_565 = vector.shape_cast %get3A_564 : vector<1x1x16xf32> to vector<16xf32>
      %sub3A_566 = arith.subf %get3A_559, %get3A_565 : vector<16xf32>
      %mul3A_567 = arith.mulf %sub3A_566, %sub3A_566 : vector<16xf32>
      %add3A_568 = arith.addf %scan3A_464, %mul3A_567 : vector<16xf32>
      %get3A_569 = arith.constant 0 : i32
      %get3A_570 = arith.index_cast %get3A_569 : i32 to index
      %get3A_571 = arith.index_cast %scan3A_457 : i32 to index
      %get3A_572 = arith.constant 112 : index
      %get3A_573 = tpu.vector_load %arg7[%get3A_570, %get3A_571, %get3A_572] {strides = array<i32>} : memref<4x64x128xf32, #tpu.memory_space<vmem>>, vector<1x1x16xf32>,
      %get3A_574 = vector.shape_cast %get3A_573 : vector<1x1x16xf32> to vector<16xf32>
      %get3A_575 = arith.constant 0 : i32
      %get3A_576 = arith.index_cast %get3A_575 : i32 to index
      %get3A_577 = arith.index_cast %scan3A_457 : i32 to index
      %get3A_578 = arith.constant 112 : index
      %get3A_579 = tpu.vector_load %arg8[%get3A_576, %get3A_577, %get3A_578] {strides = array<i32>} : memref<4x64x128xf32, #tpu.memory_space<vmem>>, vector<1x1x16xf32>,
      %get3A_580 = vector.shape_cast %get3A_579 : vector<1x1x16xf32> to vector<16xf32>
      %sub3A_581 = arith.subf %get3A_574, %get3A_580 : vector<16xf32>
      %mul3A_582 = arith.mulf %sub3A_581, %sub3A_581 : vector<16xf32>
      %add3A_583 = arith.addf %scan3A_465, %mul3A_582 : vector<16xf32>
      scf.yield %add3A_478, %add3A_493, %add3A_508, %add3A_523, %add3A_538, %add3A_553, %add3A_568, %add3A_583 : vector<16xf32>, vector<16xf32>, vector<16xf32>, vector<16xf32>, vector<16xf32>, vector<16xf32>, vector<16xf32>, vector<16xf32>
    }
    %scan3A_359 = arith.constant 64 : i32
    %dma_wait3A_360 = arith.constant 1 : i32
    %dma_wait3A_361 = arith.constant 0 : i32
    %dma_wait3A_362 = arith.constant 0 : i32
    %dma_wait3A_363 = tpu.memref_slice %arg8[%dma_wait3A_360, %dma_wait3A_361, %dma_wait3A_362] : memref<4x64x128xf32, #tpu.memory_space<vmem>> -> memref<1x64x128xf32, #tpu.memory_space<vmem>>
    %dma_wait3A_364 = tpu.memref_squeeze %dma_wait3A_363 : memref<1x64x128xf32, #tpu.memory_space<vmem>> -> memref<64x128xf32, #tpu.memory_space<vmem>>
    %dma_wait3A_365 = arith.constant 320 : i32
    %dma_wait3A_366 = tpu.memref_slice %arg6[%dma_wait3A_365] : memref<512xi32, #tpu.memory_space<vmem>> -> memref<64xi32, #tpu.memory_space<vmem>>
    %dma_wait3A_367 = arith.constant 0 : i32
    %dma_wait3A_368 = arith.constant 0 : i32
    %dma_wait3A_369 = tpu.memref_slice %arg4[%dma_wait3A_367, %dma_wait3A_368] : memref<100000x128xf32, #tpu.memory_space<hbm>> -> memref<100000x128xf32, #tpu.memory_space<hbm>>
    tpu.wait_indirect_dma semaphore(%arg11 : memref<!tpu.dma_semaphore, #tpu.memory_space<semaphore_mem>>) src(%dma_wait3A_369 : memref<100000x128xf32, #tpu.memory_space<hbm>>) dst(%dma_wait3A_364 : memref<64x128xf32, #tpu.memory_space<vmem>>)
    %dma_wait3A_370 = arith.constant 1 : i32
    %dma_wait3A_371 = arith.constant 0 : i32
    %dma_wait3A_372 = arith.constant 0 : i32
    %dma_wait3A_373 = tpu.memref_slice %arg7[%dma_wait3A_370, %dma_wait3A_371, %dma_wait3A_372] : memref<4x64x128xf32, #tpu.memory_space<vmem>> -> memref<1x64x128xf32, #tpu.memory_space<vmem>>
    %dma_wait3A_374 = tpu.memref_squeeze %dma_wait3A_373 : memref<1x64x128xf32, #tpu.memory_space<vmem>> -> memref<64x128xf32, #tpu.memory_space<vmem>>
    %dma_wait3A_375 = arith.constant 0 : i32
    %dma_wait3A_376 = tpu.memref_slice %arg2[%add3A_209, %dma_wait3A_375] : memref<16384x128xf32, #tpu.memory_space<hbm>> -> memref<64x128xf32, #tpu.memory_space<hbm>>
    %dma_wait3A_377 = arith.constant 0 : i32
    %dma_wait3A_378 = arith.constant 0 : i32
    %dma_wait3A_379 = tpu.memref_slice %arg7[%dma_wait3A_370, %dma_wait3A_377, %dma_wait3A_378] : memref<4x64x128xf32, #tpu.memory_space<vmem>> -> memref<1x64x128xf32, #tpu.memory_space<vmem>>
    %dma_wait3A_380 = tpu.memref_squeeze %dma_wait3A_379 : memref<1x64x128xf32, #tpu.memory_space<vmem>> -> memref<64x128xf32, #tpu.memory_space<vmem>>
    %dma_wait3A_381 = arith.constant 0 : i32
    %dma_wait3A_382 = tpu.memref_slice %arg2[%add3A_209, %dma_wait3A_381] : memref<16384x128xf32, #tpu.memory_space<hbm>> -> memref<64x128xf32, #tpu.memory_space<hbm>>
    tpu.wait_dma2 semaphore(%arg11 : memref<!tpu.dma_semaphore, #tpu.memory_space<semaphore_mem>>) src(%dma_wait3A_382 : memref<64x128xf32, #tpu.memory_space<hbm>>) dst(%dma_wait3A_380 : memref<64x128xf32, #tpu.memory_space<vmem>>)
    %scan3A_383 = arith.constant 0 : i32
    %scan3A_384 = arith.constant 64 : i32
    %scan3A_385 = arith.addi %scan3A_383, %scan3A_384 : i32
    %scan3A_386 = arith.constant 1 : i32
    %scan3A_387:8 = scf.for %scan3A_457 = %scan3A_383 to %scan3A_385 step %scan3A_386 iter_args(%scan3A_458 = %scan3A_358#0, %scan3A_459 = %scan3A_358#1, %scan3A_460 = %scan3A_358#2, %scan3A_461 = %scan3A_358#3, %scan3A_462 = %scan3A_358#4, %scan3A_463 = %scan3A_358#5, %scan3A_464 = %scan3A_358#6, %scan3A_465 = %scan3A_358#7) -> (vector<16xf32>, vector<16xf32>, vector<16xf32>, vector<16xf32>, vector<16xf32>, vector<16xf32>, vector<16xf32>, vector<16xf32>)  : i32 {
      %get3A = arith.constant 1 : i32
      %get3A_466 = arith.index_cast %get3A : i32 to index
      %get3A_467 = arith.index_cast %scan3A_457 : i32 to index
      %get3A_468 = arith.constant 0 : index
      %get3A_469 = tpu.vector_load %arg7[%get3A_466, %get3A_467, %get3A_468] {strides = array<i32>} : memref<4x64x128xf32, #tpu.memory_space<vmem>>, vector<1x1x16xf32>,
      %get3A_470 = vector.shape_cast %get3A_469 : vector<1x1x16xf32> to vector<16xf32>
      %get3A_471 = arith.constant 1 : i32
      %get3A_472 = arith.index_cast %get3A_471 : i32 to index
      %get3A_473 = arith.index_cast %scan3A_457 : i32 to index
      %get3A_474 = arith.constant 0 : index
      %get3A_475 = tpu.vector_load %arg8[%get3A_472, %get3A_473, %get3A_474] {strides = array<i32>} : memref<4x64x128xf32, #tpu.memory_space<vmem>>, vector<1x1x16xf32>,
      %get3A_476 = vector.shape_cast %get3A_475 : vector<1x1x16xf32> to vector<16xf32>
      %sub3A = arith.subf %get3A_470, %get3A_476 : vector<16xf32>
      %mul3A_477 = arith.mulf %sub3A, %sub3A : vector<16xf32>
      %add3A_478 = arith.addf %scan3A_458, %mul3A_477 : vector<16xf32>
      %get3A_479 = arith.constant 1 : i32
      %get3A_480 = arith.index_cast %get3A_479 : i32 to index
      %get3A_481 = arith.index_cast %scan3A_457 : i32 to index
      %get3A_482 = arith.constant 16 : index
      %get3A_483 = tpu.vector_load %arg7[%get3A_480, %get3A_481, %get3A_482] {strides = array<i32>} : memref<4x64x128xf32, #tpu.memory_space<vmem>>, vector<1x1x16xf32>,
      %get3A_484 = vector.shape_cast %get3A_483 : vector<1x1x16xf32> to vector<16xf32>
      %get3A_485 = arith.constant 1 : i32
      %get3A_486 = arith.index_cast %get3A_485 : i32 to index
      %get3A_487 = arith.index_cast %scan3A_457 : i32 to index
      %get3A_488 = arith.constant 16 : index
      %get3A_489 = tpu.vector_load %arg8[%get3A_486, %get3A_487, %get3A_488] {strides = array<i32>} : memref<4x64x128xf32, #tpu.memory_space<vmem>>, vector<1x1x16xf32>,
      %get3A_490 = vector.shape_cast %get3A_489 : vector<1x1x16xf32> to vector<16xf32>
      %sub3A_491 = arith.subf %get3A_484, %get3A_490 : vector<16xf32>
      %mul3A_492 = arith.mulf %sub3A_491, %sub3A_491 : vector<16xf32>
      %add3A_493 = arith.addf %scan3A_459, %mul3A_492 : vector<16xf32>
      %get3A_494 = arith.constant 1 : i32
      %get3A_495 = arith.index_cast %get3A_494 : i32 to index
      %get3A_496 = arith.index_cast %scan3A_457 : i32 to index
      %get3A_497 = arith.constant 32 : index
      %get3A_498 = tpu.vector_load %arg7[%get3A_495, %get3A_496, %get3A_497] {strides = array<i32>} : memref<4x64x128xf32, #tpu.memory_space<vmem>>, vector<1x1x16xf32>,
      %get3A_499 = vector.shape_cast %get3A_498 : vector<1x1x16xf32> to vector<16xf32>
      %get3A_500 = arith.constant 1 : i32
      %get3A_501 = arith.index_cast %get3A_500 : i32 to index
      %get3A_502 = arith.index_cast %scan3A_457 : i32 to index
      %get3A_503 = arith.constant 32 : index
      %get3A_504 = tpu.vector_load %arg8[%get3A_501, %get3A_502, %get3A_503] {strides = array<i32>} : memref<4x64x128xf32, #tpu.memory_space<vmem>>, vector<1x1x16xf32>,
      %get3A_505 = vector.shape_cast %get3A_504 : vector<1x1x16xf32> to vector<16xf32>
      %sub3A_506 = arith.subf %get3A_499, %get3A_505 : vector<16xf32>
      %mul3A_507 = arith.mulf %sub3A_506, %sub3A_506 : vector<16xf32>
      %add3A_508 = arith.addf %scan3A_460, %mul3A_507 : vector<16xf32>
      %get3A_509 = arith.constant 1 : i32
      %get3A_510 = arith.index_cast %get3A_509 : i32 to index
      %get3A_511 = arith.index_cast %scan3A_457 : i32 to index
      %get3A_512 = arith.constant 48 : index
      %get3A_513 = tpu.vector_load %arg7[%get3A_510, %get3A_511, %get3A_512] {strides = array<i32>} : memref<4x64x128xf32, #tpu.memory_space<vmem>>, vector<1x1x16xf32>,
      %get3A_514 = vector.shape_cast %get3A_513 : vector<1x1x16xf32> to vector<16xf32>
      %get3A_515 = arith.constant 1 : i32
      %get3A_516 = arith.index_cast %get3A_515 : i32 to index
      %get3A_517 = arith.index_cast %scan3A_457 : i32 to index
      %get3A_518 = arith.constant 48 : index
      %get3A_519 = tpu.vector_load %arg8[%get3A_516, %get3A_517, %get3A_518] {strides = array<i32>} : memref<4x64x128xf32, #tpu.memory_space<vmem>>, vector<1x1x16xf32>,
      %get3A_520 = vector.shape_cast %get3A_519 : vector<1x1x16xf32> to vector<16xf32>
      %sub3A_521 = arith.subf %get3A_514, %get3A_520 : vector<16xf32>
      %mul3A_522 = arith.mulf %sub3A_521, %sub3A_521 : vector<16xf32>
      %add3A_523 = arith.addf %scan3A_461, %mul3A_522 : vector<16xf32>
      %get3A_524 = arith.constant 1 : i32
      %get3A_525 = arith.index_cast %get3A_524 : i32 to index
      %get3A_526 = arith.index_cast %scan3A_457 : i32 to index
      %get3A_527 = arith.constant 64 : index
      %get3A_528 = tpu.vector_load %arg7[%get3A_525, %get3A_526, %get3A_527] {strides = array<i32>} : memref<4x64x128xf32, #tpu.memory_space<vmem>>, vector<1x1x16xf32>,
      %get3A_529 = vector.shape_cast %get3A_528 : vector<1x1x16xf32> to vector<16xf32>
      %get3A_530 = arith.constant 1 : i32
      %get3A_531 = arith.index_cast %get3A_530 : i32 to index
      %get3A_532 = arith.index_cast %scan3A_457 : i32 to index
      %get3A_533 = arith.constant 64 : index
      %get3A_534 = tpu.vector_load %arg8[%get3A_531, %get3A_532, %get3A_533] {strides = array<i32>} : memref<4x64x128xf32, #tpu.memory_space<vmem>>, vector<1x1x16xf32>,
      %get3A_535 = vector.shape_cast %get3A_534 : vector<1x1x16xf32> to vector<16xf32>
      %sub3A_536 = arith.subf %get3A_529, %get3A_535 : vector<16xf32>
      %mul3A_537 = arith.mulf %sub3A_536, %sub3A_536 : vector<16xf32>
      %add3A_538 = arith.addf %scan3A_462, %mul3A_537 : vector<16xf32>
      %get3A_539 = arith.constant 1 : i32
      %get3A_540 = arith.index_cast %get3A_539 : i32 to index
      %get3A_541 = arith.index_cast %scan3A_457 : i32 to index
      %get3A_542 = arith.constant 80 : index
      %get3A_543 = tpu.vector_load %arg7[%get3A_540, %get3A_541, %get3A_542] {strides = array<i32>} : memref<4x64x128xf32, #tpu.memory_space<vmem>>, vector<1x1x16xf32>,
      %get3A_544 = vector.shape_cast %get3A_543 : vector<1x1x16xf32> to vector<16xf32>
      %get3A_545 = arith.constant 1 : i32
      %get3A_546 = arith.index_cast %get3A_545 : i32 to index
      %get3A_547 = arith.index_cast %scan3A_457 : i32 to index
      %get3A_548 = arith.constant 80 : index
      %get3A_549 = tpu.vector_load %arg8[%get3A_546, %get3A_547, %get3A_548] {strides = array<i32>} : memref<4x64x128xf32, #tpu.memory_space<vmem>>, vector<1x1x16xf32>,
      %get3A_550 = vector.shape_cast %get3A_549 : vector<1x1x16xf32> to vector<16xf32>
      %sub3A_551 = arith.subf %get3A_544, %get3A_550 : vector<16xf32>
      %mul3A_552 = arith.mulf %sub3A_551, %sub3A_551 : vector<16xf32>
      %add3A_553 = arith.addf %scan3A_463, %mul3A_552 : vector<16xf32>
      %get3A_554 = arith.constant 1 : i32
      %get3A_555 = arith.index_cast %get3A_554 : i32 to index
      %get3A_556 = arith.index_cast %scan3A_457 : i32 to index
      %get3A_557 = arith.constant 96 : index
      %get3A_558 = tpu.vector_load %arg7[%get3A_555, %get3A_556, %get3A_557] {strides = array<i32>} : memref<4x64x128xf32, #tpu.memory_space<vmem>>, vector<1x1x16xf32>,
      %get3A_559 = vector.shape_cast %get3A_558 : vector<1x1x16xf32> to vector<16xf32>
      %get3A_560 = arith.constant 1 : i32
      %get3A_561 = arith.index_cast %get3A_560 : i32 to index
      %get3A_562 = arith.index_cast %scan3A_457 : i32 to index
      %get3A_563 = arith.constant 96 : index
      %get3A_564 = tpu.vector_load %arg8[%get3A_561, %get3A_562, %get3A_563] {strides = array<i32>} : memref<4x64x128xf32, #tpu.memory_space<vmem>>, vector<1x1x16xf32>,
      %get3A_565 = vector.shape_cast %get3A_564 : vector<1x1x16xf32> to vector<16xf32>
      %sub3A_566 = arith.subf %get3A_559, %get3A_565 : vector<16xf32>
      %mul3A_567 = arith.mulf %sub3A_566, %sub3A_566 : vector<16xf32>
      %add3A_568 = arith.addf %scan3A_464, %mul3A_567 : vector<16xf32>
      %get3A_569 = arith.constant 1 : i32
      %get3A_570 = arith.index_cast %get3A_569 : i32 to index
      %get3A_571 = arith.index_cast %scan3A_457 : i32 to index
      %get3A_572 = arith.constant 112 : index
      %get3A_573 = tpu.vector_load %arg7[%get3A_570, %get3A_571, %get3A_572] {strides = array<i32>} : memref<4x64x128xf32, #tpu.memory_space<vmem>>, vector<1x1x16xf32>,
      %get3A_574 = vector.shape_cast %get3A_573 : vector<1x1x16xf32> to vector<16xf32>
      %get3A_575 = arith.constant 1 : i32
      %get3A_576 = arith.index_cast %get3A_575 : i32 to index
      %get3A_577 = arith.index_cast %scan3A_457 : i32 to index
      %get3A_578 = arith.constant 112 : index
      %get3A_579 = tpu.vector_load %arg8[%get3A_576, %get3A_577, %get3A_578] {strides = array<i32>} : memref<4x64x128xf32, #tpu.memory_space<vmem>>, vector<1x1x16xf32>,
      %get3A_580 = vector.shape_cast %get3A_579 : vector<1x1x16xf32> to vector<16xf32>
      %sub3A_581 = arith.subf %get3A_574, %get3A_580 : vector<16xf32>
      %mul3A_582 = arith.mulf %sub3A_581, %sub3A_581 : vector<16xf32>
      %add3A_583 = arith.addf %scan3A_465, %mul3A_582 : vector<16xf32>
      scf.yield %add3A_478, %add3A_493, %add3A_508, %add3A_523, %add3A_538, %add3A_553, %add3A_568, %add3A_583 : vector<16xf32>, vector<16xf32>, vector<16xf32>, vector<16xf32>, vector<16xf32>, vector<16xf32>, vector<16xf32>, vector<16xf32>
    }
    %scan3A_388 = arith.constant 64 : i32
    %dma_wait3A_389 = arith.constant 2 : i32
    %dma_wait3A_390 = arith.constant 0 : i32
    %dma_wait3A_391 = arith.constant 0 : i32
    %dma_wait3A_392 = tpu.memref_slice %arg8[%dma_wait3A_389, %dma_wait3A_390, %dma_wait3A_391] : memref<4x64x128xf32, #tpu.memory_space<vmem>> -> memref<1x64x128xf32, #tpu.memory_space<vmem>>
    %dma_wait3A_393 = tpu.memref_squeeze %dma_wait3A_392 : memref<1x64x128xf32, #tpu.memory_space<vmem>> -> memref<64x128xf32, #tpu.memory_space<vmem>>
    %dma_wait3A_394 = arith.constant 384 : i32
    %dma_wait3A_395 = tpu.memref_slice %arg6[%dma_wait3A_394] : memref<512xi32, #tpu.memory_space<vmem>> -> memref<64xi32, #tpu.memory_space<vmem>>
    %dma_wait3A_396 = arith.constant 0 : i32
    %dma_wait3A_397 = arith.constant 0 : i32
    %dma_wait3A_398 = tpu.memref_slice %arg4[%dma_wait3A_396, %dma_wait3A_397] : memref<100000x128xf32, #tpu.memory_space<hbm>> -> memref<100000x128xf32, #tpu.memory_space<hbm>>
    tpu.wait_indirect_dma semaphore(%arg12 : memref<!tpu.dma_semaphore, #tpu.memory_space<semaphore_mem>>) src(%dma_wait3A_398 : memref<100000x128xf32, #tpu.memory_space<hbm>>) dst(%dma_wait3A_393 : memref<64x128xf32, #tpu.memory_space<vmem>>)
    %dma_wait3A_399 = arith.constant 2 : i32
    %dma_wait3A_400 = arith.constant 0 : i32
    %dma_wait3A_401 = arith.constant 0 : i32
    %dma_wait3A_402 = tpu.memref_slice %arg7[%dma_wait3A_399, %dma_wait3A_400, %dma_wait3A_401] : memref<4x64x128xf32, #tpu.memory_space<vmem>> -> memref<1x64x128xf32, #tpu.memory_space<vmem>>
    %dma_wait3A_403 = tpu.memref_squeeze %dma_wait3A_402 : memref<1x64x128xf32, #tpu.memory_space<vmem>> -> memref<64x128xf32, #tpu.memory_space<vmem>>
    %dma_wait3A_404 = arith.constant 0 : i32
    %dma_wait3A_405 = tpu.memref_slice %arg2[%add3A_263, %dma_wait3A_404] : memref<16384x128xf32, #tpu.memory_space<hbm>> -> memref<64x128xf32, #tpu.memory_space<hbm>>
    %dma_wait3A_406 = arith.constant 0 : i32
    %dma_wait3A_407 = arith.constant 0 : i32
    %dma_wait3A_408 = tpu.memref_slice %arg7[%dma_wait3A_399, %dma_wait3A_406, %dma_wait3A_407] : memref<4x64x128xf32, #tpu.memory_space<vmem>> -> memref<1x64x128xf32, #tpu.memory_space<vmem>>
    %dma_wait3A_409 = tpu.memref_squeeze %dma_wait3A_408 : memref<1x64x128xf32, #tpu.memory_space<vmem>> -> memref<64x128xf32, #tpu.memory_space<vmem>>
    %dma_wait3A_410 = arith.constant 0 : i32
    %dma_wait3A_411 = tpu.memref_slice %arg2[%add3A_263, %dma_wait3A_410] : memref<16384x128xf32, #tpu.memory_space<hbm>> -> memref<64x128xf32, #tpu.memory_space<hbm>>
    tpu.wait_dma2 semaphore(%arg12 : memref<!tpu.dma_semaphore, #tpu.memory_space<semaphore_mem>>) src(%dma_wait3A_411 : memref<64x128xf32, #tpu.memory_space<hbm>>) dst(%dma_wait3A_409 : memref<64x128xf32, #tpu.memory_space<vmem>>)
    %scan3A_412 = arith.constant 0 : i32
    %scan3A_413 = arith.constant 64 : i32
    %scan3A_414 = arith.addi %scan3A_412, %scan3A_413 : i32
    %scan3A_415 = arith.constant 1 : i32
    %scan3A_416:8 = scf.for %scan3A_457 = %scan3A_412 to %scan3A_414 step %scan3A_415 iter_args(%scan3A_458 = %scan3A_387#0, %scan3A_459 = %scan3A_387#1, %scan3A_460 = %scan3A_387#2, %scan3A_461 = %scan3A_387#3, %scan3A_462 = %scan3A_387#4, %scan3A_463 = %scan3A_387#5, %scan3A_464 = %scan3A_387#6, %scan3A_465 = %scan3A_387#7) -> (vector<16xf32>, vector<16xf32>, vector<16xf32>, vector<16xf32>, vector<16xf32>, vector<16xf32>, vector<16xf32>, vector<16xf32>)  : i32 {
      %get3A = arith.constant 2 : i32
      %get3A_466 = arith.index_cast %get3A : i32 to index
      %get3A_467 = arith.index_cast %scan3A_457 : i32 to index
      %get3A_468 = arith.constant 0 : index
      %get3A_469 = tpu.vector_load %arg7[%get3A_466, %get3A_467, %get3A_468] {strides = array<i32>} : memref<4x64x128xf32, #tpu.memory_space<vmem>>, vector<1x1x16xf32>,
      %get3A_470 = vector.shape_cast %get3A_469 : vector<1x1x16xf32> to vector<16xf32>
      %get3A_471 = arith.constant 2 : i32
      %get3A_472 = arith.index_cast %get3A_471 : i32 to index
      %get3A_473 = arith.index_cast %scan3A_457 : i32 to index
      %get3A_474 = arith.constant 0 : index
      %get3A_475 = tpu.vector_load %arg8[%get3A_472, %get3A_473, %get3A_474] {strides = array<i32>} : memref<4x64x128xf32, #tpu.memory_space<vmem>>, vector<1x1x16xf32>,
      %get3A_476 = vector.shape_cast %get3A_475 : vector<1x1x16xf32> to vector<16xf32>
      %sub3A = arith.subf %get3A_470, %get3A_476 : vector<16xf32>
      %mul3A_477 = arith.mulf %sub3A, %sub3A : vector<16xf32>
      %add3A_478 = arith.addf %scan3A_458, %mul3A_477 : vector<16xf32>
      %get3A_479 = arith.constant 2 : i32
      %get3A_480 = arith.index_cast %get3A_479 : i32 to index
      %get3A_481 = arith.index_cast %scan3A_457 : i32 to index
      %get3A_482 = arith.constant 16 : index
      %get3A_483 = tpu.vector_load %arg7[%get3A_480, %get3A_481, %get3A_482] {strides = array<i32>} : memref<4x64x128xf32, #tpu.memory_space<vmem>>, vector<1x1x16xf32>,
      %get3A_484 = vector.shape_cast %get3A_483 : vector<1x1x16xf32> to vector<16xf32>
      %get3A_485 = arith.constant 2 : i32
      %get3A_486 = arith.index_cast %get3A_485 : i32 to index
      %get3A_487 = arith.index_cast %scan3A_457 : i32 to index
      %get3A_488 = arith.constant 16 : index
      %get3A_489 = tpu.vector_load %arg8[%get3A_486, %get3A_487, %get3A_488] {strides = array<i32>} : memref<4x64x128xf32, #tpu.memory_space<vmem>>, vector<1x1x16xf32>,
      %get3A_490 = vector.shape_cast %get3A_489 : vector<1x1x16xf32> to vector<16xf32>
      %sub3A_491 = arith.subf %get3A_484, %get3A_490 : vector<16xf32>
      %mul3A_492 = arith.mulf %sub3A_491, %sub3A_491 : vector<16xf32>
      %add3A_493 = arith.addf %scan3A_459, %mul3A_492 : vector<16xf32>
      %get3A_494 = arith.constant 2 : i32
      %get3A_495 = arith.index_cast %get3A_494 : i32 to index
      %get3A_496 = arith.index_cast %scan3A_457 : i32 to index
      %get3A_497 = arith.constant 32 : index
      %get3A_498 = tpu.vector_load %arg7[%get3A_495, %get3A_496, %get3A_497] {strides = array<i32>} : memref<4x64x128xf32, #tpu.memory_space<vmem>>, vector<1x1x16xf32>,
      %get3A_499 = vector.shape_cast %get3A_498 : vector<1x1x16xf32> to vector<16xf32>
      %get3A_500 = arith.constant 2 : i32
      %get3A_501 = arith.index_cast %get3A_500 : i32 to index
      %get3A_502 = arith.index_cast %scan3A_457 : i32 to index
      %get3A_503 = arith.constant 32 : index
      %get3A_504 = tpu.vector_load %arg8[%get3A_501, %get3A_502, %get3A_503] {strides = array<i32>} : memref<4x64x128xf32, #tpu.memory_space<vmem>>, vector<1x1x16xf32>,
      %get3A_505 = vector.shape_cast %get3A_504 : vector<1x1x16xf32> to vector<16xf32>
      %sub3A_506 = arith.subf %get3A_499, %get3A_505 : vector<16xf32>
      %mul3A_507 = arith.mulf %sub3A_506, %sub3A_506 : vector<16xf32>
      %add3A_508 = arith.addf %scan3A_460, %mul3A_507 : vector<16xf32>
      %get3A_509 = arith.constant 2 : i32
      %get3A_510 = arith.index_cast %get3A_509 : i32 to index
      %get3A_511 = arith.index_cast %scan3A_457 : i32 to index
      %get3A_512 = arith.constant 48 : index
      %get3A_513 = tpu.vector_load %arg7[%get3A_510, %get3A_511, %get3A_512] {strides = array<i32>} : memref<4x64x128xf32, #tpu.memory_space<vmem>>, vector<1x1x16xf32>,
      %get3A_514 = vector.shape_cast %get3A_513 : vector<1x1x16xf32> to vector<16xf32>
      %get3A_515 = arith.constant 2 : i32
      %get3A_516 = arith.index_cast %get3A_515 : i32 to index
      %get3A_517 = arith.index_cast %scan3A_457 : i32 to index
      %get3A_518 = arith.constant 48 : index
      %get3A_519 = tpu.vector_load %arg8[%get3A_516, %get3A_517, %get3A_518] {strides = array<i32>} : memref<4x64x128xf32, #tpu.memory_space<vmem>>, vector<1x1x16xf32>,
      %get3A_520 = vector.shape_cast %get3A_519 : vector<1x1x16xf32> to vector<16xf32>
      %sub3A_521 = arith.subf %get3A_514, %get3A_520 : vector<16xf32>
      %mul3A_522 = arith.mulf %sub3A_521, %sub3A_521 : vector<16xf32>
      %add3A_523 = arith.addf %scan3A_461, %mul3A_522 : vector<16xf32>
      %get3A_524 = arith.constant 2 : i32
      %get3A_525 = arith.index_cast %get3A_524 : i32 to index
      %get3A_526 = arith.index_cast %scan3A_457 : i32 to index
      %get3A_527 = arith.constant 64 : index
      %get3A_528 = tpu.vector_load %arg7[%get3A_525, %get3A_526, %get3A_527] {strides = array<i32>} : memref<4x64x128xf32, #tpu.memory_space<vmem>>, vector<1x1x16xf32>,
      %get3A_529 = vector.shape_cast %get3A_528 : vector<1x1x16xf32> to vector<16xf32>
      %get3A_530 = arith.constant 2 : i32
      %get3A_531 = arith.index_cast %get3A_530 : i32 to index
      %get3A_532 = arith.index_cast %scan3A_457 : i32 to index
      %get3A_533 = arith.constant 64 : index
      %get3A_534 = tpu.vector_load %arg8[%get3A_531, %get3A_532, %get3A_533] {strides = array<i32>} : memref<4x64x128xf32, #tpu.memory_space<vmem>>, vector<1x1x16xf32>,
      %get3A_535 = vector.shape_cast %get3A_534 : vector<1x1x16xf32> to vector<16xf32>
      %sub3A_536 = arith.subf %get3A_529, %get3A_535 : vector<16xf32>
      %mul3A_537 = arith.mulf %sub3A_536, %sub3A_536 : vector<16xf32>
      %add3A_538 = arith.addf %scan3A_462, %mul3A_537 : vector<16xf32>
      %get3A_539 = arith.constant 2 : i32
      %get3A_540 = arith.index_cast %get3A_539 : i32 to index
      %get3A_541 = arith.index_cast %scan3A_457 : i32 to index
      %get3A_542 = arith.constant 80 : index
      %get3A_543 = tpu.vector_load %arg7[%get3A_540, %get3A_541, %get3A_542] {strides = array<i32>} : memref<4x64x128xf32, #tpu.memory_space<vmem>>, vector<1x1x16xf32>,
      %get3A_544 = vector.shape_cast %get3A_543 : vector<1x1x16xf32> to vector<16xf32>
      %get3A_545 = arith.constant 2 : i32
      %get3A_546 = arith.index_cast %get3A_545 : i32 to index
      %get3A_547 = arith.index_cast %scan3A_457 : i32 to index
      %get3A_548 = arith.constant 80 : index
      %get3A_549 = tpu.vector_load %arg8[%get3A_546, %get3A_547, %get3A_548] {strides = array<i32>} : memref<4x64x128xf32, #tpu.memory_space<vmem>>, vector<1x1x16xf32>,
      %get3A_550 = vector.shape_cast %get3A_549 : vector<1x1x16xf32> to vector<16xf32>
      %sub3A_551 = arith.subf %get3A_544, %get3A_550 : vector<16xf32>
      %mul3A_552 = arith.mulf %sub3A_551, %sub3A_551 : vector<16xf32>
      %add3A_553 = arith.addf %scan3A_463, %mul3A_552 : vector<16xf32>
      %get3A_554 = arith.constant 2 : i32
      %get3A_555 = arith.index_cast %get3A_554 : i32 to index
      %get3A_556 = arith.index_cast %scan3A_457 : i32 to index
      %get3A_557 = arith.constant 96 : index
      %get3A_558 = tpu.vector_load %arg7[%get3A_555, %get3A_556, %get3A_557] {strides = array<i32>} : memref<4x64x128xf32, #tpu.memory_space<vmem>>, vector<1x1x16xf32>,
      %get3A_559 = vector.shape_cast %get3A_558 : vector<1x1x16xf32> to vector<16xf32>
      %get3A_560 = arith.constant 2 : i32
      %get3A_561 = arith.index_cast %get3A_560 : i32 to index
      %get3A_562 = arith.index_cast %scan3A_457 : i32 to index
      %get3A_563 = arith.constant 96 : index
      %get3A_564 = tpu.vector_load %arg8[%get3A_561, %get3A_562, %get3A_563] {strides = array<i32>} : memref<4x64x128xf32, #tpu.memory_space<vmem>>, vector<1x1x16xf32>,
      %get3A_565 = vector.shape_cast %get3A_564 : vector<1x1x16xf32> to vector<16xf32>
      %sub3A_566 = arith.subf %get3A_559, %get3A_565 : vector<16xf32>
      %mul3A_567 = arith.mulf %sub3A_566, %sub3A_566 : vector<16xf32>
      %add3A_568 = arith.addf %scan3A_464, %mul3A_567 : vector<16xf32>
      %get3A_569 = arith.constant 2 : i32
      %get3A_570 = arith.index_cast %get3A_569 : i32 to index
      %get3A_571 = arith.index_cast %scan3A_457 : i32 to index
      %get3A_572 = arith.constant 112 : index
      %get3A_573 = tpu.vector_load %arg7[%get3A_570, %get3A_571, %get3A_572] {strides = array<i32>} : memref<4x64x128xf32, #tpu.memory_space<vmem>>, vector<1x1x16xf32>,
      %get3A_574 = vector.shape_cast %get3A_573 : vector<1x1x16xf32> to vector<16xf32>
      %get3A_575 = arith.constant 2 : i32
      %get3A_576 = arith.index_cast %get3A_575 : i32 to index
      %get3A_577 = arith.index_cast %scan3A_457 : i32 to index
      %get3A_578 = arith.constant 112 : index
      %get3A_579 = tpu.vector_load %arg8[%get3A_576, %get3A_577, %get3A_578] {strides = array<i32>} : memref<4x64x128xf32, #tpu.memory_space<vmem>>, vector<1x1x16xf32>,
      %get3A_580 = vector.shape_cast %get3A_579 : vector<1x1x16xf32> to vector<16xf32>
      %sub3A_581 = arith.subf %get3A_574, %get3A_580 : vector<16xf32>
      %mul3A_582 = arith.mulf %sub3A_581, %sub3A_581 : vector<16xf32>
      %add3A_583 = arith.addf %scan3A_465, %mul3A_582 : vector<16xf32>
      scf.yield %add3A_478, %add3A_493, %add3A_508, %add3A_523, %add3A_538, %add3A_553, %add3A_568, %add3A_583 : vector<16xf32>, vector<16xf32>, vector<16xf32>, vector<16xf32>, vector<16xf32>, vector<16xf32>, vector<16xf32>, vector<16xf32>
    }
    %scan3A_417 = arith.constant 64 : i32
    %dma_wait3A_418 = arith.constant 3 : i32
    %dma_wait3A_419 = arith.constant 0 : i32
    %dma_wait3A_420 = arith.constant 0 : i32
    %dma_wait3A_421 = tpu.memref_slice %arg8[%dma_wait3A_418, %dma_wait3A_419, %dma_wait3A_420] : memref<4x64x128xf32, #tpu.memory_space<vmem>> -> memref<1x64x128xf32, #tpu.memory_space<vmem>>
    %dma_wait3A_422 = tpu.memref_squeeze %dma_wait3A_421 : memref<1x64x128xf32, #tpu.memory_space<vmem>> -> memref<64x128xf32, #tpu.memory_space<vmem>>
    %dma_wait3A_423 = arith.constant 448 : i32
    %dma_wait3A_424 = tpu.memref_slice %arg6[%dma_wait3A_423] : memref<512xi32, #tpu.memory_space<vmem>> -> memref<64xi32, #tpu.memory_space<vmem>>
    %dma_wait3A_425 = arith.constant 0 : i32
    %dma_wait3A_426 = arith.constant 0 : i32
    %dma_wait3A_427 = tpu.memref_slice %arg4[%dma_wait3A_425, %dma_wait3A_426] : memref<100000x128xf32, #tpu.memory_space<hbm>> -> memref<100000x128xf32, #tpu.memory_space<hbm>>
    tpu.wait_indirect_dma semaphore(%arg13 : memref<!tpu.dma_semaphore, #tpu.memory_space<semaphore_mem>>) src(%dma_wait3A_427 : memref<100000x128xf32, #tpu.memory_space<hbm>>) dst(%dma_wait3A_422 : memref<64x128xf32, #tpu.memory_space<vmem>>)
    %dma_wait3A_428 = arith.constant 3 : i32
    %dma_wait3A_429 = arith.constant 0 : i32
    %dma_wait3A_430 = arith.constant 0 : i32
    %dma_wait3A_431 = tpu.memref_slice %arg7[%dma_wait3A_428, %dma_wait3A_429, %dma_wait3A_430] : memref<4x64x128xf32, #tpu.memory_space<vmem>> -> memref<1x64x128xf32, #tpu.memory_space<vmem>>
    %dma_wait3A_432 = tpu.memref_squeeze %dma_wait3A_431 : memref<1x64x128xf32, #tpu.memory_space<vmem>> -> memref<64x128xf32, #tpu.memory_space<vmem>>
    %dma_wait3A_433 = arith.constant 0 : i32
    %dma_wait3A_434 = tpu.memref_slice %arg2[%add3A_317, %dma_wait3A_433] : memref<16384x128xf32, #tpu.memory_space<hbm>> -> memref<64x128xf32, #tpu.memory_space<hbm>>
    %dma_wait3A_435 = arith.constant 0 : i32
    %dma_wait3A_436 = arith.constant 0 : i32
    %dma_wait3A_437 = tpu.memref_slice %arg7[%dma_wait3A_428, %dma_wait3A_435, %dma_wait3A_436] : memref<4x64x128xf32, #tpu.memory_space<vmem>> -> memref<1x64x128xf32, #tpu.memory_space<vmem>>
    %dma_wait3A_438 = tpu.memref_squeeze %dma_wait3A_437 : memref<1x64x128xf32, #tpu.memory_space<vmem>> -> memref<64x128xf32, #tpu.memory_space<vmem>>
    %dma_wait3A_439 = arith.constant 0 : i32
    %dma_wait3A_440 = tpu.memref_slice %arg2[%add3A_317, %dma_wait3A_439] : memref<16384x128xf32, #tpu.memory_space<hbm>> -> memref<64x128xf32, #tpu.memory_space<hbm>>
    tpu.wait_dma2 semaphore(%arg13 : memref<!tpu.dma_semaphore, #tpu.memory_space<semaphore_mem>>) src(%dma_wait3A_440 : memref<64x128xf32, #tpu.memory_space<hbm>>) dst(%dma_wait3A_438 : memref<64x128xf32, #tpu.memory_space<vmem>>)
    %scan3A_441 = arith.constant 0 : i32
    %scan3A_442 = arith.constant 64 : i32
    %scan3A_443 = arith.addi %scan3A_441, %scan3A_442 : i32
    %scan3A_444 = arith.constant 1 : i32
    %scan3A_445:8 = scf.for %scan3A_457 = %scan3A_441 to %scan3A_443 step %scan3A_444 iter_args(%scan3A_458 = %scan3A_416#0, %scan3A_459 = %scan3A_416#1, %scan3A_460 = %scan3A_416#2, %scan3A_461 = %scan3A_416#3, %scan3A_462 = %scan3A_416#4, %scan3A_463 = %scan3A_416#5, %scan3A_464 = %scan3A_416#6, %scan3A_465 = %scan3A_416#7) -> (vector<16xf32>, vector<16xf32>, vector<16xf32>, vector<16xf32>, vector<16xf32>, vector<16xf32>, vector<16xf32>, vector<16xf32>)  : i32 {
      %get3A = arith.constant 3 : i32
      %get3A_466 = arith.index_cast %get3A : i32 to index
      %get3A_467 = arith.index_cast %scan3A_457 : i32 to index
      %get3A_468 = arith.constant 0 : index
      %get3A_469 = tpu.vector_load %arg7[%get3A_466, %get3A_467, %get3A_468] {strides = array<i32>} : memref<4x64x128xf32, #tpu.memory_space<vmem>>, vector<1x1x16xf32>,
      %get3A_470 = vector.shape_cast %get3A_469 : vector<1x1x16xf32> to vector<16xf32>
      %get3A_471 = arith.constant 3 : i32
      %get3A_472 = arith.index_cast %get3A_471 : i32 to index
      %get3A_473 = arith.index_cast %scan3A_457 : i32 to index
      %get3A_474 = arith.constant 0 : index
      %get3A_475 = tpu.vector_load %arg8[%get3A_472, %get3A_473, %get3A_474] {strides = array<i32>} : memref<4x64x128xf32, #tpu.memory_space<vmem>>, vector<1x1x16xf32>,
      %get3A_476 = vector.shape_cast %get3A_475 : vector<1x1x16xf32> to vector<16xf32>
      %sub3A = arith.subf %get3A_470, %get3A_476 : vector<16xf32>
      %mul3A_477 = arith.mulf %sub3A, %sub3A : vector<16xf32>
      %add3A_478 = arith.addf %scan3A_458, %mul3A_477 : vector<16xf32>
      %get3A_479 = arith.constant 3 : i32
      %get3A_480 = arith.index_cast %get3A_479 : i32 to index
      %get3A_481 = arith.index_cast %scan3A_457 : i32 to index
      %get3A_482 = arith.constant 16 : index
      %get3A_483 = tpu.vector_load %arg7[%get3A_480, %get3A_481, %get3A_482] {strides = array<i32>} : memref<4x64x128xf32, #tpu.memory_space<vmem>>, vector<1x1x16xf32>,
      %get3A_484 = vector.shape_cast %get3A_483 : vector<1x1x16xf32> to vector<16xf32>
      %get3A_485 = arith.constant 3 : i32
      %get3A_486 = arith.index_cast %get3A_485 : i32 to index
      %get3A_487 = arith.index_cast %scan3A_457 : i32 to index
      %get3A_488 = arith.constant 16 : index
      %get3A_489 = tpu.vector_load %arg8[%get3A_486, %get3A_487, %get3A_488] {strides = array<i32>} : memref<4x64x128xf32, #tpu.memory_space<vmem>>, vector<1x1x16xf32>,
      %get3A_490 = vector.shape_cast %get3A_489 : vector<1x1x16xf32> to vector<16xf32>
      %sub3A_491 = arith.subf %get3A_484, %get3A_490 : vector<16xf32>
      %mul3A_492 = arith.mulf %sub3A_491, %sub3A_491 : vector<16xf32>
      %add3A_493 = arith.addf %scan3A_459, %mul3A_492 : vector<16xf32>
      %get3A_494 = arith.constant 3 : i32
      %get3A_495 = arith.index_cast %get3A_494 : i32 to index
      %get3A_496 = arith.index_cast %scan3A_457 : i32 to index
      %get3A_497 = arith.constant 32 : index
      %get3A_498 = tpu.vector_load %arg7[%get3A_495, %get3A_496, %get3A_497] {strides = array<i32>} : memref<4x64x128xf32, #tpu.memory_space<vmem>>, vector<1x1x16xf32>,
      %get3A_499 = vector.shape_cast %get3A_498 : vector<1x1x16xf32> to vector<16xf32>
      %get3A_500 = arith.constant 3 : i32
      %get3A_501 = arith.index_cast %get3A_500 : i32 to index
      %get3A_502 = arith.index_cast %scan3A_457 : i32 to index
      %get3A_503 = arith.constant 32 : index
      %get3A_504 = tpu.vector_load %arg8[%get3A_501, %get3A_502, %get3A_503] {strides = array<i32>} : memref<4x64x128xf32, #tpu.memory_space<vmem>>, vector<1x1x16xf32>,
      %get3A_505 = vector.shape_cast %get3A_504 : vector<1x1x16xf32> to vector<16xf32>
      %sub3A_506 = arith.subf %get3A_499, %get3A_505 : vector<16xf32>
      %mul3A_507 = arith.mulf %sub3A_506, %sub3A_506 : vector<16xf32>
      %add3A_508 = arith.addf %scan3A_460, %mul3A_507 : vector<16xf32>
      %get3A_509 = arith.constant 3 : i32
      %get3A_510 = arith.index_cast %get3A_509 : i32 to index
      %get3A_511 = arith.index_cast %scan3A_457 : i32 to index
      %get3A_512 = arith.constant 48 : index
      %get3A_513 = tpu.vector_load %arg7[%get3A_510, %get3A_511, %get3A_512] {strides = array<i32>} : memref<4x64x128xf32, #tpu.memory_space<vmem>>, vector<1x1x16xf32>,
      %get3A_514 = vector.shape_cast %get3A_513 : vector<1x1x16xf32> to vector<16xf32>
      %get3A_515 = arith.constant 3 : i32
      %get3A_516 = arith.index_cast %get3A_515 : i32 to index
      %get3A_517 = arith.index_cast %scan3A_457 : i32 to index
      %get3A_518 = arith.constant 48 : index
      %get3A_519 = tpu.vector_load %arg8[%get3A_516, %get3A_517, %get3A_518] {strides = array<i32>} : memref<4x64x128xf32, #tpu.memory_space<vmem>>, vector<1x1x16xf32>,
      %get3A_520 = vector.shape_cast %get3A_519 : vector<1x1x16xf32> to vector<16xf32>
      %sub3A_521 = arith.subf %get3A_514, %get3A_520 : vector<16xf32>
      %mul3A_522 = arith.mulf %sub3A_521, %sub3A_521 : vector<16xf32>
      %add3A_523 = arith.addf %scan3A_461, %mul3A_522 : vector<16xf32>
      %get3A_524 = arith.constant 3 : i32
      %get3A_525 = arith.index_cast %get3A_524 : i32 to index
      %get3A_526 = arith.index_cast %scan3A_457 : i32 to index
      %get3A_527 = arith.constant 64 : index
      %get3A_528 = tpu.vector_load %arg7[%get3A_525, %get3A_526, %get3A_527] {strides = array<i32>} : memref<4x64x128xf32, #tpu.memory_space<vmem>>, vector<1x1x16xf32>,
      %get3A_529 = vector.shape_cast %get3A_528 : vector<1x1x16xf32> to vector<16xf32>
      %get3A_530 = arith.constant 3 : i32
      %get3A_531 = arith.index_cast %get3A_530 : i32 to index
      %get3A_532 = arith.index_cast %scan3A_457 : i32 to index
      %get3A_533 = arith.constant 64 : index
      %get3A_534 = tpu.vector_load %arg8[%get3A_531, %get3A_532, %get3A_533] {strides = array<i32>} : memref<4x64x128xf32, #tpu.memory_space<vmem>>, vector<1x1x16xf32>,
      %get3A_535 = vector.shape_cast %get3A_534 : vector<1x1x16xf32> to vector<16xf32>
      %sub3A_536 = arith.subf %get3A_529, %get3A_535 : vector<16xf32>
      %mul3A_537 = arith.mulf %sub3A_536, %sub3A_536 : vector<16xf32>
      %add3A_538 = arith.addf %scan3A_462, %mul3A_537 : vector<16xf32>
      %get3A_539 = arith.constant 3 : i32
      %get3A_540 = arith.index_cast %get3A_539 : i32 to index
      %get3A_541 = arith.index_cast %scan3A_457 : i32 to index
      %get3A_542 = arith.constant 80 : index
      %get3A_543 = tpu.vector_load %arg7[%get3A_540, %get3A_541, %get3A_542] {strides = array<i32>} : memref<4x64x128xf32, #tpu.memory_space<vmem>>, vector<1x1x16xf32>,
      %get3A_544 = vector.shape_cast %get3A_543 : vector<1x1x16xf32> to vector<16xf32>
      %get3A_545 = arith.constant 3 : i32
      %get3A_546 = arith.index_cast %get3A_545 : i32 to index
      %get3A_547 = arith.index_cast %scan3A_457 : i32 to index
      %get3A_548 = arith.constant 80 : index
      %get3A_549 = tpu.vector_load %arg8[%get3A_546, %get3A_547, %get3A_548] {strides = array<i32>} : memref<4x64x128xf32, #tpu.memory_space<vmem>>, vector<1x1x16xf32>,
      %get3A_550 = vector.shape_cast %get3A_549 : vector<1x1x16xf32> to vector<16xf32>
      %sub3A_551 = arith.subf %get3A_544, %get3A_550 : vector<16xf32>
      %mul3A_552 = arith.mulf %sub3A_551, %sub3A_551 : vector<16xf32>
      %add3A_553 = arith.addf %scan3A_463, %mul3A_552 : vector<16xf32>
      %get3A_554 = arith.constant 3 : i32
      %get3A_555 = arith.index_cast %get3A_554 : i32 to index
      %get3A_556 = arith.index_cast %scan3A_457 : i32 to index
      %get3A_557 = arith.constant 96 : index
      %get3A_558 = tpu.vector_load %arg7[%get3A_555, %get3A_556, %get3A_557] {strides = array<i32>} : memref<4x64x128xf32, #tpu.memory_space<vmem>>, vector<1x1x16xf32>,
      %get3A_559 = vector.shape_cast %get3A_558 : vector<1x1x16xf32> to vector<16xf32>
      %get3A_560 = arith.constant 3 : i32
      %get3A_561 = arith.index_cast %get3A_560 : i32 to index
      %get3A_562 = arith.index_cast %scan3A_457 : i32 to index
      %get3A_563 = arith.constant 96 : index
      %get3A_564 = tpu.vector_load %arg8[%get3A_561, %get3A_562, %get3A_563] {strides = array<i32>} : memref<4x64x128xf32, #tpu.memory_space<vmem>>, vector<1x1x16xf32>,
      %get3A_565 = vector.shape_cast %get3A_564 : vector<1x1x16xf32> to vector<16xf32>
      %sub3A_566 = arith.subf %get3A_559, %get3A_565 : vector<16xf32>
      %mul3A_567 = arith.mulf %sub3A_566, %sub3A_566 : vector<16xf32>
      %add3A_568 = arith.addf %scan3A_464, %mul3A_567 : vector<16xf32>
      %get3A_569 = arith.constant 3 : i32
      %get3A_570 = arith.index_cast %get3A_569 : i32 to index
      %get3A_571 = arith.index_cast %scan3A_457 : i32 to index
      %get3A_572 = arith.constant 112 : index
      %get3A_573 = tpu.vector_load %arg7[%get3A_570, %get3A_571, %get3A_572] {strides = array<i32>} : memref<4x64x128xf32, #tpu.memory_space<vmem>>, vector<1x1x16xf32>,
      %get3A_574 = vector.shape_cast %get3A_573 : vector<1x1x16xf32> to vector<16xf32>
      %get3A_575 = arith.constant 3 : i32
      %get3A_576 = arith.index_cast %get3A_575 : i32 to index
      %get3A_577 = arith.index_cast %scan3A_457 : i32 to index
      %get3A_578 = arith.constant 112 : index
      %get3A_579 = tpu.vector_load %arg8[%get3A_576, %get3A_577, %get3A_578] {strides = array<i32>} : memref<4x64x128xf32, #tpu.memory_space<vmem>>, vector<1x1x16xf32>,
      %get3A_580 = vector.shape_cast %get3A_579 : vector<1x1x16xf32> to vector<16xf32>
      %sub3A_581 = arith.subf %get3A_574, %get3A_580 : vector<16xf32>
      %mul3A_582 = arith.mulf %sub3A_581, %sub3A_581 : vector<16xf32>
      %add3A_583 = arith.addf %scan3A_465, %mul3A_582 : vector<16xf32>
      scf.yield %add3A_478, %add3A_493, %add3A_508, %add3A_523, %add3A_538, %add3A_553, %add3A_568, %add3A_583 : vector<16xf32>, vector<16xf32>, vector<16xf32>, vector<16xf32>, vector<16xf32>, vector<16xf32>, vector<16xf32>, vector<16xf32>
    }
    %scan3A_446 = arith.constant 64 : i32
    %add3A_447 = arith.addf %scan3A_445#0, %scan3A_445#1 : vector<16xf32>
    %add3A_448 = arith.addf %add3A_447, %scan3A_445#2 : vector<16xf32>
    %add3A_449 = arith.addf %add3A_448, %scan3A_445#3 : vector<16xf32>
    %add3A_450 = arith.addf %add3A_449, %scan3A_445#4 : vector<16xf32>
    %add3A_451 = arith.addf %add3A_450, %scan3A_445#5 : vector<16xf32>
    %add3A_452 = arith.addf %add3A_451, %scan3A_445#6 : vector<16xf32>
    %add3A_453 = arith.addf %add3A_452, %scan3A_445#7 : vector<16xf32>
    %swap3A = arith.constant 0 : index
    %swap3A_454 = tpu.vector_load %arg9[%swap3A] {strides = array<i32>} : memref<16xf32, #tpu.memory_space<vmem>>, vector<16xf32>,
    %swap3A_455 = vector.shape_cast %swap3A_454 : vector<16xf32> to vector<16xf32>
    %swap3A_456 = vector.shape_cast %add3A_453 : vector<16xf32> to vector<16xf32>
    tpu.vector_store %arg9[%swap3A], %swap3A_456 {strides = array<i32>} : memref<16xf32, #tpu.memory_space<vmem>>, vector<16xf32>,
    "tpu.region"() ({
      %run_scoped3A = tpu.sem_alloc : memref<!tpu.dma_semaphore, #tpu.memory_space<semaphore_mem>>
      %dma_start3A_457 = arith.constant 0 : i32
      %dma_start3A_458 = tpu.memref_slice %arg5[%add3A, %dma_start3A_457] : memref<32x16xf32, #tpu.memory_space<hbm>> -> memref<1x16xf32, #tpu.memory_space<hbm>>
      %dma_start3A_459 = tpu.memref_squeeze %dma_start3A_458 : memref<1x16xf32, #tpu.memory_space<hbm>> -> memref<16xf32, #tpu.memory_space<hbm>>
      %dma_start3A_460 = arith.constant 0 : i32
      %dma_start3A_461 = tpu.memref_slice %arg5[%add3A, %dma_start3A_460] : memref<32x16xf32, #tpu.memory_space<hbm>> -> memref<1x16xf32, #tpu.memory_space<hbm>>
      %dma_start3A_462 = tpu.memref_squeeze %dma_start3A_461 : memref<1x16xf32, #tpu.memory_space<hbm>> -> memref<16xf32, #tpu.memory_space<hbm>>
      tpu.enqueue_dma source(%arg9 : memref<16xf32, #tpu.memory_space<vmem>>) target(%dma_start3A_462 : memref<16xf32, #tpu.memory_space<hbm>>) target_semaphore(%run_scoped3A : memref<!tpu.dma_semaphore, #tpu.memory_space<semaphore_mem>>)
      %dma_wait3A_463 = arith.constant 0 : i32
      %dma_wait3A_464 = tpu.memref_slice %arg5[%add3A, %dma_wait3A_463] : memref<32x16xf32, #tpu.memory_space<hbm>> -> memref<1x16xf32, #tpu.memory_space<hbm>>
      %dma_wait3A_465 = tpu.memref_squeeze %dma_wait3A_464 : memref<1x16xf32, #tpu.memory_space<hbm>> -> memref<16xf32, #tpu.memory_space<hbm>>
      %dma_wait3A_466 = arith.constant 0 : i32
      %dma_wait3A_467 = tpu.memref_slice %arg5[%add3A, %dma_wait3A_466] : memref<32x16xf32, #tpu.memory_space<hbm>> -> memref<1x16xf32, #tpu.memory_space<hbm>>
      %dma_wait3A_468 = tpu.memref_squeeze %dma_wait3A_467 : memref<1x16xf32, #tpu.memory_space<hbm>> -> memref<16xf32, #tpu.memory_space<hbm>>
      tpu.wait_dma2 semaphore(%run_scoped3A : memref<!tpu.dma_semaphore, #tpu.memory_space<semaphore_mem>>) src(%arg9 : memref<16xf32, #tpu.memory_space<vmem>>) dst(%dma_wait3A_468 : memref<16xf32, #tpu.memory_space<hbm>>)
      tpu.yield
    }) : () -> ()
    return
  }
}

module attributes {stable_mosaic.version = 14 : i64} {
  func.func @body(%arg0: memref<32x16xf32, #tpu.memory_space<vmem>>, %arg1: memref<1x1xf32, #tpu.memory_space<smem>>) attributes {dimension_semantics = [], scalar_prefetch = 0 : i64, scratch_operands = 0 : i64, tpu.core_type = #tpu.core_type<tc>} {
    %get3A = arith.constant 0 : index
    %get3A_0 = arith.constant 0 : index
    %get3A_1 = vector.load %arg0[%get3A, %get3A_0] : memref<32x16xf32, #tpu.memory_space<vmem>>, vector<32x16xf32>
    %reduce_sum3A = vector.shape_cast %get3A_1 : vector<32x16xf32> to vector<1x32x16xf32>
    %reduce_sum3A_2 = arith.constant dense<0.000000e+00> : vector<1xf32>
    %reduce_sum3A_3 = vector.multi_reduction <add>, %reduce_sum3A, %reduce_sum3A_2 [1, 2] : vector<1x32x16xf32> to vector<1xf32>
    %reduce_sum3A_4 = vector.shape_cast %reduce_sum3A_3 : vector<1xf32> to vector<1x1x1xf32>
    %reduce_sum3A_5 = vector.extract %reduce_sum3A_4[0, 0, 0] : f32 from vector<1x1x1xf32>
    %mul3A = arith.constant 6.10351563E-5 : f32
    %mul3A_6 = arith.mulf %reduce_sum3A_5, %mul3A : f32
    %swap3A = arith.constant 0 : index
    %swap3A_7 = arith.constant 0 : index
    %swap3A_8 = memref.load %arg1[%swap3A, %swap3A_7] : memref<1x1xf32, #tpu.memory_space<smem>>
    memref.store %mul3A_6, %arg1[%swap3A, %swap3A_7] : memref<1x1xf32, #tpu.memory_space<smem>>
    return
  }
}

</mosaic_0001>

<sc_bundles>
// kernel: kernel.4.cloned.1.call-start
scs
__scs_entry_jumppad:
0x0: {  	(pc) =	sbr.rel $0x88, $3  }
0x1: {  	(tag) =	ssettag $0x0;
	lr =	simm.s32 $0x1  }
0x2: {  	[smem:$0x3F9E] =	sst lr;
	_ =	strace $0xD0000000  }
0x3: {  	_ = 	snop  }
0x4: {  	_ = 	snop  }
0x5: {  	_ = 	snop  }
0x6: {  	_ = 	snop  }
0x7: {  	_ = 	snop  }
__scs_overlays_trampoline_lowered:
0x8: {  	[smem:$0x3FAD] =	sst s0  }
0x9: {  	[smem:$0x3FAE] =	sst s1  }
0xa: {  	[smem:$0x3FAF] =	sst s2  }
0xb: {  	[smem:$0x3FB0] =	sst s3  }
0xc: {  	[smem:$0x3FB1] =	sst s4  }
0xd: {  	[smem:$0x3FB2] =	sst s5  }
0xe: {  	[smem:$0x3FB3] =	sst s6  }
0xf: {  	[smem:$0x3FB4] =	sst s7  }
0x10: {  	[smem:$0x3FB5] =	sst s8  }
0x11: {  	[smem:$0x3FB6] =	sst s9;
	s0 =	simm.s32 @!p0 $0x0  }
0x12: {  	s1 =	sld [smem:$0x3F9C];
	s0 =	simm.s32 @p0 $0x1  }
0x13: {  	[smem:$0x3FB7] =	sst s0;
	s0 =	simm.s32 @!p1 $0x0  }
0x14: {  	s2 =	sld [smem:$0x3F9B];
	s0 =	simm.s32 @p1 $0x1  }
0x15: {  	[smem:$0x3FB8] =	sst s0;
	s0 =	simm.s32 @!p2 $0x0  }
0x16: {  	s3 =	sld [smem:$0x3FDB];
	s0 =	simm.s32 @p2 $0x1  }
0x17: {  	s4 =	simm.s32 $0x1BF5;
	[smem:$0x3FBA] =	sst s0  }
0x18: {  	s0 =	sld [smem:$0x3F9D];
	_ =	swait.ge [sflag:s4], $0x0  }
0x19: {  	s7 =	sld [smem:$0x3F9E]  }
0x1a: {  	s8 =	sadd.s32 $0xFFFFE003, lr  }
0x1b: {  	s9 =	sadd.s32 $0xFFFFFEF7, lr;
	s5 =	simm.s32 $0xFFFFFFFF;
	p2 =	slt.u32 s8, $0xFFFFF086  }
0x1c: {  	p1 =	slt.u32 s9, $0xF7A;
	s5 =	simm.s32 @!p2 $0x0  }
0x1d: {  	s5 =	simm.s32 @p1 $0x1;
	p0 =	seq.s32 s7, s2  }
0x1e: {  	s7 =	smul.u32 @!p0 $0xF7A, s2;
	p2 =	seq.s32 @!p0 s5, $0x0  }
0x1f: {  	s9 =	smul.u32 $0xF7A, s1;
	s8 =	simm.s32 @!p0 $0x1BF5;
	p2 =	por !p2, p0  }
0x20: {  	[sflag:s8] =	ssyncset.s32 @!p0 $0xFFFFF086;
	s6 =	sadd.s32 @!p0 s3, s7;
	s7 =	simm.s32 @!p0 $0x108  }
0x21: {  	s3 =	sadd.s32 s3, s9;
	s6 =	sadd.s32 @!p0 $0x88, s6;
	s7 =	simm.s32 @p2 $0x1082  }
0x22: {  	[simem:s7], [sflag:s8] =	dma.local @!p0 [hbm:s6], $0xF7A  }
0x23: {  	s9 =	sor.u32 $0xD0000000, s2;
	s6 =	simm.s32 $0x108;
	_ =	swait.ge @!p0 [sflag:s8], $0x0  }
0x24: {  	s3 =	sadd.s32 $0x88, s3;
	s6 =	simm.s32 @!p1 $0x1082;
	[sflag:s4] =	ssyncset.s32 $0xFFFFF086  }
0x25: {  	[simem:s6], [sflag:s4] =	dma.local [hbm:s3], $0xF7A  }
0x26: {  	[smem:$0x3F9E] =	sst s1;
	(tag) =	ssettag s2;
	_ =	strace s9  }
0x27: {  	s1 =	sld [smem:$0x3FAE]  }
0x28: {  	s2 =	sld [smem:$0x3FAF]  }
0x29: {  	s4 =	sld [smem:$0x3FB1]  }
0x2a: {  	p0 =	seq.s32 s5, $0x0;
	s5 =	sld [smem:$0x3FB2]  }
0x2b: {  	s6 =	sld [smem:$0x3FB3]  }
0x2c: {  	s7 =	sld [smem:$0x3FB4]  }
0x2d: {  	s3 =	simm.s32 $0x108;
	s8 =	sld [smem:$0x3FB5]  }
0x2e: {  	s3 =	simm.s32 @!p0 $0x1082;
	s9 =	sld [smem:$0x3FB6]  }
0x2f: {  	lr =	sadd.s32 s0, s3;
	s0 =	sld [smem:$0x3FAD]  }
0x30: {  	s3 =	sld [smem:$0x3FB0]  }
0x31: {  	[smem:$0x3FB9] =	sst s10  }
0x32: {  	s10 =	sld [smem:$0x3FB7];
	_ =	sdelay $0x3  }
0x33: {  	p0 =	seq.s32 s10, $0x1;
	s10 =	sld [smem:$0x3FB9];
	_ =	sdelay $0x3  }
0x34: {  	[smem:$0x3FB9] =	sst s10  }
0x35: {  	s10 =	sld [smem:$0x3FB8];
	_ =	sdelay $0x3  }
0x36: {  	p1 =	seq.s32 s10, $0x1;
	s10 =	sld [smem:$0x3FB9];
	_ =	sdelay $0x3  }
0x37: {  	[smem:$0x3FB9] =	sst s10  }
0x38: {  	s10 =	sld [smem:$0x3FBA]  }
0x39: {  	_ = 	snop;
	(pc) =	sbr.ind lr, $3  }
0x3a: {  	_ = 	snop  }
0x3b: {  	_ = 	snop  }
0x3c: {  	p2 =	seq.s32 s10, $0x1;
	s10 =	sld [smem:$0x3FB9]  }
0x3d: {  	_ =	shalt  }
0x3e: {  	_ =	shalt  }
0x3f: {  	_ =	shalt  }
0x40: {  	_ =	shalt  }
0x41: {  	_ =	shalt  }
0x42: {  	_ =	shalt  }
0x43: {  	_ =	shalt  }
0x44: {  	_ =	shalt  }
0x45: {  	_ =	shalt  }
0x46: {  	_ =	shalt  }
0x47: {  	_ =	shalt  }
0x48: {  	_ =	shalt  }
0x49: {  	_ =	shalt  }
0x4a: {  	_ =	shalt  }
0x4b: {  	_ =	shalt  }
0x4c: {  	_ =	shalt  }
0x4d: {  	_ =	shalt  }
0x4e: {  	_ =	shalt  }
0x4f: {  	_ =	shalt  }
0x50: {  	_ =	shalt  }
0x51: {  	_ =	shalt  }
0x52: {  	_ =	shalt  }
0x53: {  	_ =	shalt  }
0x54: {  	_ =	shalt  }
0x55: {  	_ =	shalt  }
0x56: {  	_ =	shalt  }
0x57: {  	_ =	shalt  }
0x58: {  	_ =	shalt  }
0x59: {  	_ =	shalt  }
0x5a: {  	_ =	shalt  }
0x5b: {  	_ =	shalt  }
0x5c: {  	_ =	shalt  }
0x5d: {  	_ =	shalt  }
0x5e: {  	_ =	shalt  }
0x5f: {  	_ =	shalt  }
0x60: {  	_ =	shalt  }
0x61: {  	_ =	shalt  }
0x62: {  	_ =	shalt  }
0x63: {  	_ =	shalt  }
0x64: {  	_ =	shalt  }
0x65: {  	_ =	shalt  }
0x66: {  	_ =	shalt  }
0x67: {  	_ =	shalt  }
0x68: {  	_ =	shalt  }
0x69: {  	_ =	shalt  }
0x6a: {  	_ =	shalt  }
0x6b: {  	_ =	shalt  }
0x6c: {  	_ =	shalt  }
0x6d: {  	_ =	shalt  }
0x6e: {  	_ =	shalt  }
0x6f: {  	_ =	shalt  }
0x70: {  	_ =	shalt  }
0x71: {  	_ =	shalt  }
0x72: {  	_ =	shalt  }
0x73: {  	_ =	shalt  }
0x74: {  	_ =	shalt  }
0x75: {  	_ =	shalt  }
0x76: {  	_ =	shalt  }
0x77: {  	_ =	shalt  }
0x78: {  	_ =	shalt  }
0x79: {  	_ =	shalt  }
0x7a: {  	_ =	shalt  }
0x7b: {  	_ =	shalt  }
0x7c: {  	_ =	shalt  }
0x7d: {  	_ =	shalt  }
0x7e: {  	_ =	shalt  }
0x7f: {  	_ =	shalt  }
0x80: {  	_ =	shalt  }
0x81: {  	_ =	shalt  }
0x82: {  	_ =	shalt  }
0x83: {  	_ =	shalt  }
0x84: {  	_ =	shalt  }
0x85: {  	_ =	shalt  }
0x86: {  	_ =	shalt  }
0x87: {  	_ =	shalt  }
.Lfunc_end0:
.L_simem_size_0:
called_computation_lowered:
.L_overlay_start_0:
0x88: {  	s2 =	sld [smem:$0x3FD9]  }
0x89: {  	s3 =	sld [smem:$0x3FFE];
	_ =	sdelay $0x1  }
0x8a: {  	s1 =	srdreg.scid  }
0x8b: {  	s0 =	sand.u32 $0x1, s1  }
0x8c: {  	s17 =	sshll.u32 s0, $0xA;
	s2 =	sadd.s32 s3, s2  }
0x8d: {  	s2 =	sadd.s32 s2, s17  }
0x8e: {  	[smem:$0x3FC5] =	sst s2  }
0x8f: {  	_ = 	snop  }
0x90: {  	s2 =	sld [smem:$0x3FC9]  }
0x91: {  	s18 =	sld [smem:$0x3FC8]  }
0x92: {  	s4 =	sld [smem:$0x3FC7];
	(tm) =	ssettm $0x1  }
0x93: {  	s5 =	sld [smem:$0x3FFB];
	_ =	sdelay $0x3  }
0x94: {  	_ =	strace s5  }
0x95: {  	s5 =	sld [smem:$0x3FFC];
	_ =	sdelay $0x3  }
0x96: {  	_ =	strace s5  }
0x97: {  	s5 =	sld [smem:$0x3FFD];
	_ =	sdelay $0x3  }
0x98: {  	_ =	strace s5  }
0x99: {  	_ =	strace $0x8FFFFFFF  }
0x9a: {  	s19 =	sld [smem:$0x3FDB];
	_ =	sdelay $0x1  }
0x9b: {  	s6 =	simm.s32 $_scs_section_size  }
0x9c: {  	s7 =	simm.s32 $_size__tile_overlayer_lowered;
	s8 =	simm.s32 $_tile_overlayer_lowered  }
0x9d: {  	s22 =	simm.s32 $0x1BFF;
	s21 =	sshll.u32 s8, $0x1;
	s5 =	sadd.s32 s6, s19  }
0x9e: {  	s9 =	simm.s32 $0x0;
	s20 =	sshll.u32 s7, $0x1;
	s7 =	sadd.s32 s21, s5  }
0x9f: {  	[timem:s9], [sflag:s22] =	dma.local [hbm:s7], s20  }
0xa0: {  	_ =	swait.ge [sflag:s22], s20  }
0xa1: {  	s6 =	ssub.s32 $0x0, s20;
	[sflag:s22] =	ssyncset.done $0x0  }
0xa2: {  	[sflag:s22] =	ssyncadd.s32 s6;
	_ =	sdelay $0x1  }
0xa3: {  	s23 =	simm.s32 $0x1B8B  }
0xa4: {  	_ =	swait.ge [sflag:s23], $0x1  }
0xa5: {  	[sflag:s23] =	ssyncset.done $0x0  }
0xa6: {  	s25 =	simm.s32 $0x1B8E;
	s24 =	sld [smem:$0x3FFE];
	[sflag:s23] =	ssyncadd.s32 $0xFFFFFFFF  }
0xa7: {  	s26 =	simm.s32 $execute0_lowered;
	[smem:$0x3FD2] =	sst s25  }
0xa8: {  	s7 =	sshll.u32 s26, $0x1;
	_ =	strace $0x80000046;
	[dreg:$0x1] =	wrdreg $0xFFFFFFFF  }
0xa9: {  	s28 =	simm.s32 $_size_execute0_lowered;
	s5 =	sadd.s32 s5, s7;
	[dreg:$0x0] =	wrdreg $0x0  }
0xaa: {  	s7 =	sshll.u32 s28, $0x1;
	[dreg:$0x2] =	wrdreg s5  }
0xab: {  	[dreg:$0x3] =	wrdreg s7  }
0xac: {  	[dreg:$0x4] =	wrdreg $0xC0  }
0xad: {  	_ =	task [dreg:s9], $0x5FFFF  }
0xae: {  	[dreg:$0x1] =	wrdreg $0xFFFFFFFF  }
0xaf: {  	[dreg:$0x0] =	wrdreg $0x60  }
0xb0: {  	[dreg:$0x2] =	wrdreg s2  }
0xb1: {  	[dreg:$0x3] =	wrdreg s18  }
0xb2: {  	[dreg:$0x4] =	wrdreg s4  }
0xb3: {  	[dreg:$0x5] =	wrdreg s24  }
0xb4: {  	[dreg:$0x6] =	wrdreg $0x9  }
0xb5: {  	_ =	task.clear_ibuf [dreg:s9], $0x7FFFF;
	_ =	strace $0x90000046  }
0xb6: {  	s29 =	simm.s32 $0x9;
	_ =	strace $0x80000048  }
0xb7: {  	_ =	swait.ge [sflag:s29], $0x1  }
0xb8: {  	[sflag:s29] =	ssyncadd.s32 $0xFFFFFFFF  }
0xb9: {  	_ =	strace $0x90000048  }
0xba: {  	_ =	sfence  }
0xbb: {  	s30 =	sld [smem:$0x0];
	_ =	sdelay $0x2  }
0xbc: {  	s31 =	sshll.u32 s1, $0xD;
	s1 =	sshrl.u32 s1, $0x2  }
0xbd: {  	s3 =	sand.u32 $0x4000, s31;
	s1 =	sadd.s32 s1, s30  }
0xbe: {  	s0 =	sor.u32 s3, s0;
	s1 =	sshll.u32 s1, $0x11  }
0xbf: {  	s0 =	sor.u32 s1, s0  }
0xc0: {  	s0 =	sadd.s32 $0x8F2B, s0  }
0xc1: {  	[sflag:s0] =	ssyncadd.remote.s32 $0x1  }
0xc2: {  	_ =	sfence.sel $0xFFFF  }
0xc3: {  	[dreg:$0x0] =	wrdreg $0xFFFFFFFF;
	(pc) =	sbr.abs _section_cstart, $3  }
0xc4: {  	[dreg:$0x1] =	wrdreg $0xFFFFFFFF  }
0xc5: {  	_ =	task.clear_ibuf [dreg:s9], $0x2FFFF;
	_ =	strace $0x9FFFFFFF  }
0xc6: {  	(tm) =	ssettm $0x7FFFFFFF  }
0xc7: {  	_ =	shalt  }
tec
execute0_lowered:
.L_overlay_start_1:
0x0: {  	(tag) =	ssettag $0x1  }
0x1: {  	s0 =	rddreg [dreg:$0x0]  }
0x2: {  	s1 =	rddreg [dreg:$0x1]  }
0x3: {  	s2 =	rddreg [dreg:$0x2]  }
0x4: {  	s4 =	rddreg [dreg:$0x3]  }
0x5: {  	s5 =	srdreg.scid;
	s6 =	stileid.u32;
	s3 =	simm.s32 $0x0  }
0x6: {  	s15 =	simm.s32 $0x5;
	s16 =	simm.s32 $0x40;
	s17 =	simm.s32 $0x8200  }
0x7: {  	s18 =	simm.s32 $0x200;
	s19 =	simm.s32 $0xA200;
	s20 =	simm.s32 $0x2200  }
0x8: {  	s22 =	simm.s32 $0xC200;
	s23 =	simm.s32 $0x4200;
	s28 =	simm.s32 $0x1  }
0x9: {  	s30 =	simm.s32 $0x2;
	s21 =	simm.s32 $0x4;
	s29 =	simm.s32 $0x10200  }
0xa: {  	s5 =	sand.u32 $0x1, s5;
	s6 =	sshll.u32 s6, $0x1;
	[smem:$0x7FF] =	sst s3  }
0xb: {  	s31 =	simm.s32 $0x0;
	s6 =	sor.u32 s5, s6;
	_ =	strace $0x80000047  }
0xc: {  	s5 =	ssub.s32 $0x2, s5;
	s7 =	sshll.u32 s6, $0x4;
	s24 =	sshll.u32 s6, $0xD  }
0xd: {  	s25 =	sshrl.u32 s5, $0x1;
	s6 =	sshll.u32 s6, $0x6;
	s13 =	sadd.s32 s7, s4  }
0xe: {  	s4 =	sadd.s32 s0, s24;
	s26 =	ssub.s32 s5, s25;
	s5 =	sadd.s32 s1, s6  }
0xf: {  	s25 =	simm.s32 $0xE200;
	s0 =	simm.s32 $0x3;
	s6 =	sadd.s32 $0x400, s4  }
0x10: {  	s7 =	sadd.s32 $0x800, s4;
	s8 =	sadd.s32 $0xC00, s4;
	s9 =	sadd.s32 $0x1000, s4  }
0x11: {  	s10 =	sadd.s32 $0x1400, s4;
	s11 =	sadd.s32 $0x1800, s4;
	s12 =	sadd.s32 $0x1C00, s4  }
0x12: {  	s13 =	sadd.s32 $0x600, s13;
	s14 =	smax.u32 s26, $0x1;
	s26 =	simm.s32 $0x6200  }
.LBB2_1:
0x13: {  	[tilespmem:s3], [sflag:$0x5] =	stream.linear.gather [hbm4b:s5+s3], $0x200, $0x38;
	[tilespmem:$0x10280] =	vst v63  }
0x14: {  	_ =	swait.ge [sflag:s15], $0x200  }
0x15: {  	[sflag:s15] =	ssyncset.done $0x0  }
0x16: {  	[sflag:s15] =	ssyncadd.s32 $0xFFFFFE00  }
0x17: {  	[tilespmem:s17], [sflag:$0x1] =	stream.indirect.gather [hbm4b:s2+s16], $0x80, s3, s16, $0xb8;
	[tilespmem:$0x10280] =	vst v63  }
0x18: {  	_ = 	snop  }
0x19: {  	[tilespmem:s18], [sflag:$0x1] =	stream.linear.gather [hbm4b:s4+s3], $0x2000, $0x38;
	[tilespmem:$0x10280] =	vst v63  }
0x1a: {  	_ = 	snop  }
0x1b: {  	[tilespmem:s19], [sflag:$0x2] =	stream.indirect.gather [hbm4b:s2+s16], $0x80, s16, s16, $0xb8;
	[tilespmem:$0x10280] =	vst v63  }
0x1c: {  	_ = 	snop  }
0x1d: {  	[tilespmem:s20], [sflag:$0x2] =	stream.linear.gather [hbm4b:s6+s3], $0x2000, $0x38;
	[tilespmem:$0x10280] =	vst v63  }
0x1e: {  	s1 =	simm.s32 $0x80  }
0x1f: {  	[tilespmem:s22], [sflag:$0x3] =	stream.indirect.gather [hbm4b:s2+s16], $0x80, s1, s16, $0xb8;
	[tilespmem:$0x10280] =	vst v63  }
0x20: {  	_ = 	snop  }
0x21: {  	[tilespmem:s23], [sflag:$0x3] =	stream.linear.gather [hbm4b:s7+s3], $0x2000, $0x38;
	[tilespmem:$0x10280] =	vst v63  }
0x22: {  	s24 =	simm.s32 $0xC0  }
0x23: {  	[tilespmem:s25], [sflag:$0x4] =	stream.indirect.gather [hbm4b:s2+s16], $0x80, s24, s16, $0xb8;
	[tilespmem:$0x10280] =	vst v63  }
0x24: {  	_ = 	snop  }
0x25: {  	[tilespmem:s26], [sflag:$0x4] =	stream.linear.gather [hbm4b:s8+s3], $0x2000, $0x38;
	[tilespmem:$0x10280] =	vst v63  }
0x26: {  	_ =	swait.ge [sflag:s28], $0x2000  }
0x27: {  	[sflag:s28] =	ssyncset.done $0x0  }
0x28: {  	[sflag:s28] =	ssyncadd.s32 $0xFFFFE000  }
0x29: {  	_ =	swait.ge [sflag:s28], $0x2000  }
0x2a: {  	[sflag:s28] =	ssyncset.done $0x0  }
0x2b: {  	s24 =	simm.s32 $0x0;
	[sflag:s28] =	ssyncadd.s32 $0xFFFFE000  }
0x2c: {  	v0 =	vld [tilespmem:s24+$0x270]  }
0x2d: {  	v1 =	vld [tilespmem:s24+$0x8270]  }
0x2e: {  	v2 =	vld [tilespmem:s24+$0x200]  }
0x2f: {  	v3 =	vld [tilespmem:s24+$0x8200]  }
0x30: {  	v4 =	vld [tilespmem:s24+$0x210]  }
0x31: {  	v5 =	vld [tilespmem:s24+$0x8210]  }
0x32: {  	v6 =	vld [tilespmem:s24+$0x220]  }
0x33: {  	v7 =	vld [tilespmem:s24+$0x8220]  }
0x34: {  	v9 =	vld [tilespmem:s24+$0x230]  }
0x35: {  	v10 =	vld [tilespmem:s24+$0x8230];
	_ =	sdelay $0x2  }
0x36: {  	v14 =	vld [tilespmem:s24+$0x240];
	v0 =	vsub.f32 v0, v1;
	v1 =	vsub.f32 v2, v3  }
0x37: {  	v2 =	vsub.f32 v4, v5;
	v5 =	vld [tilespmem:s24+$0x8240];
	v3 =	vsub.f32 v6, v7  }
0x38: {  	v8 =	vld [tilespmem:s24+$0x250];
	v4 =	vimm.f32 $0.0e+00;
	v6 =	vsub.f32 v9, v10;
	v0 =	vmul.f32 v0, v0  }
0x39: {  	v11 =	vld [tilespmem:s24+$0x8250];
	v7 =	vimm.f32 $0.0e+00;
	v1 =	vmul.f32 v1, v1;
	v2 =	vmul.f32 v2, v2  }
0x3a: {  	v12 =	vld [tilespmem:s24+$0x8260];
	v3 =	vmul.f32 v3, v3;
	v13 =	vmul.f32 v6, v6;
	v0 =	vadd.f32 v0, v4  }
0x3b: {  	s1 =	simm.s32 $0x80;
	v9 =	vld [tilespmem:s24+$0x260];
	v6 =	vimm.f32 $0.0e+00;
	v1 =	vadd.f32 v1, v4;
	v2 =	vadd.f32 v2, v4  }
0x3c: {  	v10 =	vld [tilespmem:s1+$0x270];
	s24 =	simm.s32 $0x400;
	v3 =	vadd.f32 v3, v4;
	v14 =	vsub.f32 v14, v5;
	v5 =	vimm.f32 $0.0e+00  }
.LBB2_2:
0x3d: {  	p0 =	sne.s32 s24, $0x7E00;
	v15 =	vld [tilespmem:s1+$0x8270]  }
0x3e: {  	v16 =	vld [tilespmem:s1+$0x200];
	v4 =	vadd.f32 v13, v4;
	v13 =	vmul.f32 v14, v14;
	v8 =	vsub.f32 v8, v11  }
0x3f: {  	v11 =	vld [tilespmem:s1+$0x8200]  }
0x40: {  	v14 =	vld [tilespmem:s1+$0x210];
	v7 =	vadd.f32 v13, v7;
	v8 =	vmul.f32 v8, v8;
	v9 =	vsub.f32 v9, v12  }
0x41: {  	v12 =	vld [tilespmem:s1+$0x8210]  }
0x42: {  	v13 =	vld [tilespmem:s1+$0x220];
	v10 =	vsub.f32 v10, v15;
	v6 =	vadd.f32 v8, v6;
	v8 =	vmul.f32 v9, v9  }
0x43: {  	v9 =	vld [tilespmem:s1+$0x8220]  }
0x44: {  	v11 =	vsub.f32 v16, v11;
	v15 =	vld [tilespmem:s1+$0x230];
	v10 =	vmul.f32 v10, v10;
	v5 =	vadd.f32 v8, v5  }
0x45: {  	v16 =	vld [tilespmem:s1+$0x8230]  }
0x46: {  	v8 =	vmul.f32 v11, v11;
	v11 =	vsub.f32 v14, v12;
	v14 =	vld [tilespmem:s1+$0x240];
	v0 =	vadd.f32 v10, v0  }
0x47: {  	v17 =	vld [tilespmem:s1+$0x8240]  }
.Ltmp0:
0x48: {  	v1 =	vadd.f32 v8, v1;
	v10 =	vmul.f32 v11, v11;
	v9 =	vsub.f32 v13, v9;
	v8 =	vld [tilespmem:s1+$0x250];
	(pc) =	sbr.rel @p0 .LBB2_2-.Ltmp0, $4  }
0x49: {  	v11 =	vld [tilespmem:s1+$0x8250]  }
0x4a: {  	v2 =	vadd.f32 v10, v2;
	v13 =	vmul.f32 v9, v9;
	v15 =	vsub.f32 v15, v16;
	v9 =	vld [tilespmem:s1+$0x260]  }
0x4b: {  	v12 =	vld [tilespmem:s1+$0x8260];
	s1 =	sshra.s32 s24, $0x2  }
0x4c: {  	s24 =	sadd.s32 $0x200, s24;
	v10 =	vld [tilespmem:s1+$0x270];
	v3 =	vadd.f32 v13, v3;
	v13 =	vmul.f32 v15, v15;
	v14 =	vsub.f32 v14, v17  }
0x4d: {  	v15 =	vld [tilespmem:s1+$0x8270]  }
0x4e: {  	v16 =	vld [tilespmem:s1+$0x200]  }
0x4f: {  	v17 =	vld [tilespmem:s1+$0x8200]  }
0x50: {  	v18 =	vld [tilespmem:s1+$0x210]  }
0x51: {  	v19 =	vld [tilespmem:s1+$0x8210]  }
0x52: {  	v20 =	vld [tilespmem:s1+$0x220]  }
0x53: {  	v21 =	vld [tilespmem:s1+$0x8220]  }
0x54: {  	v22 =	vld [tilespmem:s1+$0x230]  }
0x55: {  	v23 =	vld [tilespmem:s1+$0x8230]  }
0x56: {  	v24 =	vld [tilespmem:s1+$0x240]  }
0x57: {  	v25 =	vld [tilespmem:s1+$0x8240]  }
0x58: {  	v26 =	vld [tilespmem:s1+$0x250]  }
0x59: {  	v27 =	vld [tilespmem:s1+$0x8250]  }
0x5a: {  	v28 =	vld [tilespmem:s1+$0x260];
	s24 =	simm.s32 $0x100  }
0x5b: {  	v29 =	vld [tilespmem:s1+$0x8260];
	[tilespmem:s17], [sflag:$0x1] =	stream.indirect.gather [hbm4b:s2+s16], $0x80, s24, s16, $0xb8  }
0x5c: {  	s24 =	simm.s32 $0x0  }
0x5d: {  	[tilespmem:s18], [sflag:$0x1] =	stream.linear.gather [hbm4b:s9+s24], $0x2000, $0x38;
	[tilespmem:$0x10280] =	vst v63  }
0x5e: {  	_ =	swait.ge [sflag:s30], $0x2000  }
0x5f: {  	[sflag:s30] =	ssyncset.done $0x0  }
0x60: {  	[sflag:s30] =	ssyncadd.s32 $0xFFFFE000  }
0x61: {  	_ =	swait.ge [sflag:s30], $0x2000  }
0x62: {  	v8 =	vsub.f32 v8, v11;
	[sflag:s30] =	ssyncset.done $0x0  }
0x63: {  	v11 =	vmul.f32 v14, v14;
	s24 =	simm.s32 $0x0;
	[sflag:s30] =	ssyncadd.s32 $0xFFFFE000  }
0x64: {  	v8 =	vmul.f32 v8, v8;
	v9 =	vsub.f32 v9, v12;
	v12 =	vld [tilespmem:s24+$0x2270]  }
0x65: {  	v4 =	vadd.f32 v13, v4;
	v7 =	vadd.f32 v11, v7;
	v11 =	vld [tilespmem:s24+$0xA270]  }
0x66: {  	v10 =	vsub.f32 v10, v15;
	v6 =	vadd.f32 v8, v6;
	v8 =	vmul.f32 v9, v9;
	v9 =	vld [tilespmem:s24+$0x2200]  }
0x67: {  	v13 =	vsub.f32 v16, v17;
	v14 =	vsub.f32 v18, v19;
	v15 =	vld [tilespmem:s24+$0xA200]  }
0x68: {  	v5 =	vadd.f32 v8, v5;
	v8 =	vmul.f32 v10, v10;
	v10 =	vsub.f32 v20, v21;
	v54 =	vld [tilespmem:s24+$0x2210]  }
0x69: {  	v55 =	vsub.f32 v22, v23;
	v13 =	vmul.f32 v13, v13;
	v14 =	vmul.f32 v14, v14;
	v56 =	vld [tilespmem:s24+$0xA210]  }
0x6a: {  	v57 =	vadd.f32 v8, v0;
	v0 =	vmul.f32 v10, v10;
	v8 =	vsub.f32 v24, v25;
	v10 =	vld [tilespmem:s24+$0x2220]  }
0x6b: {  	v13 =	vadd.f32 v13, v1;
	v14 =	vadd.f32 v14, v2;
	v1 =	vmul.f32 v55, v55;
	v2 =	vld [tilespmem:s24+$0xA220]  }
0x6c: {  	v59 =	vld [tilespmem:s24+$0x2230];
	v58 =	vadd.f32 v0, v3;
	v3 =	vmul.f32 v8, v8;
	v8 =	vsub.f32 v26, v27  }
0x6d: {  	v60 =	vld [tilespmem:s24+$0xA230];
	v0 =	vadd.f32 v1, v4;
	v1 =	vsub.f32 v28, v29  }
0x6e: {  	v61 =	vld [tilespmem:s24+$0x2240];
	v4 =	vadd.f32 v3, v7;
	v3 =	vmul.f32 v8, v8;
	v8 =	vsub.f32 v12, v11  }
0x6f: {  	v1 =	vmul.f32 v1, v1;
	v9 =	vsub.f32 v9, v15;
	v11 =	vsub.f32 v54, v56;
	v15 =	vld [tilespmem:s24+$0xA240]  }
0x70: {  	v7 =	vadd.f32 v3, v6;
	v2 =	vsub.f32 v10, v2;
	v3 =	vmul.f32 v8, v8;
	v8 =	vld [tilespmem:s24+$0x2250]  }
0x71: {  	v6 =	vadd.f32 v1, v5;
	v5 =	vmul.f32 v9, v9;
	v10 =	vmul.f32 v11, v11;
	v11 =	vld [tilespmem:s24+$0xA250]  }
0x72: {  	v63 =	vsub.f32 v59, v60;
	v12 =	vld [tilespmem:s24+$0xA260];
	v62 =	vmul.f32 v2, v2;
	v1 =	vadd.f32 v3, v57  }
0x73: {  	s1 =	simm.s32 $0x80;
	v9 =	vld [tilespmem:s24+$0x2260];
	v2 =	vadd.f32 v5, v13;
	v3 =	vadd.f32 v10, v14  }
0x74: {  	s24 =	simm.s32 $0x400;
	v10 =	vld [tilespmem:s1+$0x2270];
	v5 =	vadd.f32 v62, v58;
	v13 =	vmul.f32 v63, v63;
	v14 =	vsub.f32 v61, v15  }
.LBB2_4:
0x75: {  	p0 =	sne.s32 s24, $0x7E00;
	v15 =	vld [tilespmem:s1+$0xA270]  }
0x76: {  	v16 =	vld [tilespmem:s1+$0x2200];
	v0 =	vadd.f32 v13, v0;
	v13 =	vmul.f32 v14, v14;
	v8 =	vsub.f32 v8, v11  }
0x77: {  	v11 =	vld [tilespmem:s1+$0xA200]  }
0x78: {  	v14 =	vld [tilespmem:s1+$0x2210];
	v4 =	vadd.f32 v13, v4;
	v8 =	vmul.f32 v8, v8;
	v9 =	vsub.f32 v9, v12  }
0x79: {  	v12 =	vld [tilespmem:s1+$0xA210]  }
0x7a: {  	v13 =	vld [tilespmem:s1+$0x2220];
	v10 =	vsub.f32 v10, v15;
	v7 =	vadd.f32 v8, v7;
	v8 =	vmul.f32 v9, v9  }
0x7b: {  	v9 =	vld [tilespmem:s1+$0xA220]  }
0x7c: {  	v11 =	vsub.f32 v16, v11;
	v15 =	vld [tilespmem:s1+$0x2230];
	v10 =	vmul.f32 v10, v10;
	v6 =	vadd.f32 v8, v6  }
0x7d: {  	v16 =	vld [tilespmem:s1+$0xA230]  }
0x7e: {  	v8 =	vmul.f32 v11, v11;
	v11 =	vsub.f32 v14, v12;
	v14 =	vld [tilespmem:s1+$0x2240];
	v1 =	vadd.f32 v10, v1  }
0x7f: {  	v17 =	vld [tilespmem:s1+$0xA240]  }
.Ltmp1:
0x80: {  	v2 =	vadd.f32 v8, v2;
	v10 =	vmul.f32 v11, v11;
	v9 =	vsub.f32 v13, v9;
	v8 =	vld [tilespmem:s1+$0x2250];
	(pc) =	sbr.rel @p0 .LBB2_4-.Ltmp1, $4  }
0x81: {  	v11 =	vld [tilespmem:s1+$0xA250]  }
0x82: {  	v3 =	vadd.f32 v10, v3;
	v13 =	vmul.f32 v9, v9;
	v15 =	vsub.f32 v15, v16;
	v9 =	vld [tilespmem:s1+$0x2260]  }
0x83: {  	v12 =	vld [tilespmem:s1+$0xA260];
	s1 =	sshra.s32 s24, $0x2  }
0x84: {  	s24 =	sadd.s32 $0x200, s24;
	v10 =	vld [tilespmem:s1+$0x2270];
	v5 =	vadd.f32 v13, v5;
	v13 =	vmul.f32 v15, v15;
	v14 =	vsub.f32 v14, v17  }
0x85: {  	v15 =	vld [tilespmem:s1+$0xA270]  }
0x86: {  	v16 =	vld [tilespmem:s1+$0x2200]  }
0x87: {  	v17 =	vld [tilespmem:s1+$0xA200]  }
0x88: {  	v18 =	vld [tilespmem:s1+$0x2210]  }
0x89: {  	v19 =	vld [tilespmem:s1+$0xA210]  }
0x8a: {  	v20 =	vld [tilespmem:s1+$0x2220]  }
0x8b: {  	v21 =	vld [tilespmem:s1+$0xA220]  }
0x8c: {  	v22 =	vld [tilespmem:s1+$0x2230]  }
0x8d: {  	v23 =	vld [tilespmem:s1+$0xA230]  }
0x8e: {  	v24 =	vld [tilespmem:s1+$0x2240]  }
0x8f: {  	v25 =	vld [tilespmem:s1+$0xA240]  }
0x90: {  	v26 =	vld [tilespmem:s1+$0x2250]  }
0x91: {  	v27 =	vld [tilespmem:s1+$0xA250]  }
0x92: {  	v28 =	vld [tilespmem:s1+$0x2260];
	s24 =	simm.s32 $0x140  }
0x93: {  	v29 =	vld [tilespmem:s1+$0xA260];
	[tilespmem:s19], [sflag:$0x2] =	stream.indirect.gather [hbm4b:s2+s16], $0x80, s24, s16, $0xb8  }
0x94: {  	s24 =	simm.s32 $0x0  }
0x95: {  	[tilespmem:s20], [sflag:$0x2] =	stream.linear.gather [hbm4b:s10+s24], $0x2000, $0x38;
	[tilespmem:$0x10280] =	vst v63  }
0x96: {  	_ =	swait.ge [sflag:s0], $0x2000  }
0x97: {  	[sflag:s0] =	ssyncset.done $0x0  }
0x98: {  	[sflag:s0] =	ssyncadd.s32 $0xFFFFE000  }
0x99: {  	_ =	swait.ge [sflag:s0], $0x2000  }
0x9a: {  	v8 =	vsub.f32 v8, v11;
	[sflag:s0] =	ssyncset.done $0x0  }
0x9b: {  	v11 =	vmul.f32 v14, v14;
	s24 =	simm.s32 $0x0;
	[sflag:s0] =	ssyncadd.s32 $0xFFFFE000  }
0x9c: {  	v8 =	vmul.f32 v8, v8;
	v9 =	vsub.f32 v9, v12;
	v12 =	vld [tilespmem:s24+$0x4270]  }
0x9d: {  	v0 =	vadd.f32 v13, v0;
	v4 =	vadd.f32 v11, v4;
	v11 =	vld [tilespmem:s24+$0xC270]  }
0x9e: {  	v10 =	vsub.f32 v10, v15;
	v7 =	vadd.f32 v8, v7;
	v8 =	vmul.f32 v9, v9;
	v9 =	vld [tilespmem:s24+$0x4200]  }
0x9f: {  	v13 =	vsub.f32 v16, v17;
	v14 =	vsub.f32 v18, v19;
	v15 =	vld [tilespmem:s24+$0xC200]  }
0xa0: {  	v6 =	vadd.f32 v8, v6;
	v8 =	vmul.f32 v10, v10;
	v10 =	vsub.f32 v20, v21;
	v56 =	vld [tilespmem:s24+$0x4210]  }
0xa1: {  	v57 =	vsub.f32 v22, v23;
	v13 =	vmul.f32 v13, v13;
	v14 =	vmul.f32 v14, v14;
	v58 =	vld [tilespmem:s24+$0xC210]  }
0xa2: {  	v1 =	vadd.f32 v8, v1;
	v8 =	vmul.f32 v10, v10;
	v10 =	vsub.f32 v24, v25;
	v59 =	vld [tilespmem:s24+$0x4220]  }
0xa3: {  	v2 =	vadd.f32 v13, v2;
	v3 =	vadd.f32 v14, v3;
	v13 =	vmul.f32 v57, v57;
	v14 =	vld [tilespmem:s24+$0xC220]  }
0xa4: {  	v60 =	vld [tilespmem:s24+$0x4230];
	v5 =	vadd.f32 v8, v5;
	v8 =	vmul.f32 v10, v10;
	v10 =	vsub.f32 v26, v27  }
0xa5: {  	v61 =	vld [tilespmem:s24+$0xC230];
	v0 =	vadd.f32 v13, v0;
	v13 =	vsub.f32 v28, v29  }
0xa6: {  	v62 =	vld [tilespmem:s24+$0x4240];
	v4 =	vadd.f32 v8, v4;
	v8 =	vmul.f32 v10, v10;
	v10 =	vsub.f32 v12, v11  }
0xa7: {  	v9 =	vsub.f32 v9, v15;
	v11 =	vmul.f32 v13, v13;
	v12 =	vsub.f32 v56, v58;
	v15 =	vld [tilespmem:s24+$0xC240]  }
0xa8: {  	v7 =	vadd.f32 v8, v7;
	v13 =	vsub.f32 v59, v14;
	v8 =	vld [tilespmem:s24+$0x4250];
	v10 =	vmul.f32 v10, v10  }
0xa9: {  	v6 =	vadd.f32 v11, v6;
	v14 =	vmul.f32 v9, v9;
	v12 =	vmul.f32 v12, v12;
	v11 =	vld [tilespmem:s24+$0xC250]  }
0xaa: {  	v63 =	vsub.f32 v60, v61;
	v13 =	vmul.f32 v13, v13;
	v9 =	vld [tilespmem:s24+$0x4260];
	v1 =	vadd.f32 v10, v1  }
0xab: {  	s1 =	simm.s32 $0x80;
	v2 =	vadd.f32 v14, v2;
	v3 =	vadd.f32 v12, v3;
	v12 =	vld [tilespmem:s24+$0xC260]  }
0xac: {  	v10 =	vld [tilespmem:s1+$0x4270];
	s24 =	simm.s32 $0x400;
	v5 =	vadd.f32 v13, v5;
	v13 =	vmul.f32 v63, v63;
	v14 =	vsub.f32 v62, v15  }
.LBB2_6:
0xad: {  	p0 =	sne.s32 s24, $0x7E00;
	v15 =	vld [tilespmem:s1+$0xC270]  }
0xae: {  	v16 =	vld [tilespmem:s1+$0x4200];
	v0 =	vadd.f32 v13, v0;
	v13 =	vmul.f32 v14, v14;
	v8 =	vsub.f32 v8, v11  }
0xaf: {  	v11 =	vld [tilespmem:s1+$0xC200]  }
0xb0: {  	v14 =	vld [tilespmem:s1+$0x4210];
	v4 =	vadd.f32 v13, v4;
	v8 =	vmul.f32 v8, v8;
	v9 =	vsub.f32 v9, v12  }
0xb1: {  	v12 =	vld [tilespmem:s1+$0xC210]  }
0xb2: {  	v13 =	vld [tilespmem:s1+$0x4220];
	v10 =	vsub.f32 v10, v15;
	v7 =	vadd.f32 v8, v7;
	v8 =	vmul.f32 v9, v9  }
0xb3: {  	v9 =	vld [tilespmem:s1+$0xC220]  }
0xb4: {  	v11 =	vsub.f32 v16, v11;
	v15 =	vld [tilespmem:s1+$0x4230];
	v10 =	vmul.f32 v10, v10;
	v6 =	vadd.f32 v8, v6  }
0xb5: {  	v16 =	vld [tilespmem:s1+$0xC230]  }
0xb6: {  	v8 =	vmul.f32 v11, v11;
	v11 =	vsub.f32 v14, v12;
	v14 =	vld [tilespmem:s1+$0x4240];
	v1 =	vadd.f32 v10, v1  }
0xb7: {  	v17 =	vld [tilespmem:s1+$0xC240]  }
.Ltmp2:
0xb8: {  	v2 =	vadd.f32 v8, v2;
	v10 =	vmul.f32 v11, v11;
	v9 =	vsub.f32 v13, v9;
	v8 =	vld [tilespmem:s1+$0x4250];
	(pc) =	sbr.rel @p0 .LBB2_6-.Ltmp2, $4  }
0xb9: {  	v11 =	vld [tilespmem:s1+$0xC250]  }
0xba: {  	v3 =	vadd.f32 v10, v3;
	v13 =	vmul.f32 v9, v9;
	v15 =	vsub.f32 v15, v16;
	v9 =	vld [tilespmem:s1+$0x4260]  }
0xbb: {  	v12 =	vld [tilespmem:s1+$0xC260];
	s1 =	sshra.s32 s24, $0x2  }
0xbc: {  	s24 =	sadd.s32 $0x200, s24;
	v10 =	vld [tilespmem:s1+$0x4270];
	v5 =	vadd.f32 v13, v5;
	v13 =	vmul.f32 v15, v15;
	v14 =	vsub.f32 v14, v17  }
0xbd: {  	v15 =	vld [tilespmem:s1+$0xC270]  }
0xbe: {  	v16 =	vld [tilespmem:s1+$0x4200]  }
0xbf: {  	v17 =	vld [tilespmem:s1+$0xC200]  }
0xc0: {  	v18 =	vld [tilespmem:s1+$0x4210]  }
0xc1: {  	v19 =	vld [tilespmem:s1+$0xC210]  }
0xc2: {  	v20 =	vld [tilespmem:s1+$0x4220]  }
0xc3: {  	v21 =	vld [tilespmem:s1+$0xC220]  }
0xc4: {  	v22 =	vld [tilespmem:s1+$0x4230]  }
0xc5: {  	v23 =	vld [tilespmem:s1+$0xC230]  }
0xc6: {  	v24 =	vld [tilespmem:s1+$0x4240]  }
0xc7: {  	v25 =	vld [tilespmem:s1+$0xC240]  }
0xc8: {  	v26 =	vld [tilespmem:s1+$0x4250]  }
0xc9: {  	v27 =	vld [tilespmem:s1+$0xC250]  }
0xca: {  	v28 =	vld [tilespmem:s1+$0x4260];
	s24 =	simm.s32 $0x180  }
0xcb: {  	v29 =	vld [tilespmem:s1+$0xC260];
	[tilespmem:s22], [sflag:$0x3] =	stream.indirect.gather [hbm4b:s2+s16], $0x80, s24, s16, $0xb8  }
0xcc: {  	s24 =	simm.s32 $0x0  }
0xcd: {  	[tilespmem:s23], [sflag:$0x3] =	stream.linear.gather [hbm4b:s11+s24], $0x2000, $0x38;
	[tilespmem:$0x10280] =	vst v63  }
0xce: {  	_ =	swait.ge [sflag:s21], $0x2000  }
0xcf: {  	[sflag:s21] =	ssyncset.done $0x0  }
0xd0: {  	[sflag:s21] =	ssyncadd.s32 $0xFFFFE000  }
0xd1: {  	_ =	swait.ge [sflag:s21], $0x2000  }
0xd2: {  	v8 =	vsub.f32 v8, v11;
	[sflag:s21] =	ssyncset.done $0x0  }
0xd3: {  	v11 =	vmul.f32 v14, v14;
	s24 =	simm.s32 $0x0;
	[sflag:s21] =	ssyncadd.s32 $0xFFFFE000  }
0xd4: {  	v8 =	vmul.f32 v8, v8;
	v9 =	vsub.f32 v9, v12;
	v12 =	vld [tilespmem:s24+$0x6270]  }
0xd5: {  	v0 =	vadd.f32 v13, v0;
	v4 =	vadd.f32 v11, v4;
	v11 =	vld [tilespmem:s24+$0xE270]  }
0xd6: {  	v10 =	vsub.f32 v10, v15;
	v7 =	vadd.f32 v8, v7;
	v8 =	vmul.f32 v9, v9;
	v9 =	vld [tilespmem:s24+$0x6200]  }
0xd7: {  	v13 =	vsub.f32 v16, v17;
	v14 =	vsub.f32 v18, v19;
	v15 =	vld [tilespmem:s24+$0xE200]  }
0xd8: {  	v6 =	vadd.f32 v8, v6;
	v8 =	vmul.f32 v10, v10;
	v10 =	vsub.f32 v20, v21;
	v56 =	vld [tilespmem:s24+$0x6210]  }
0xd9: {  	v57 =	vsub.f32 v22, v23;
	v13 =	vmul.f32 v13, v13;
	v14 =	vmul.f32 v14, v14;
	v58 =	vld [tilespmem:s24+$0xE210]  }
0xda: {  	v1 =	vadd.f32 v8, v1;
	v8 =	vmul.f32 v10, v10;
	v10 =	vsub.f32 v24, v25;
	v59 =	vld [tilespmem:s24+$0x6220]  }
0xdb: {  	v2 =	vadd.f32 v13, v2;
	v3 =	vadd.f32 v14, v3;
	v13 =	vmul.f32 v57, v57;
	v14 =	vld [tilespmem:s24+$0xE220]  }
0xdc: {  	v60 =	vld [tilespmem:s24+$0x6230];
	v5 =	vadd.f32 v8, v5;
	v8 =	vmul.f32 v10, v10;
	v10 =	vsub.f32 v26, v27  }
0xdd: {  	v61 =	vld [tilespmem:s24+$0xE230];
	v0 =	vadd.f32 v13, v0;
	v13 =	vsub.f32 v28, v29  }
0xde: {  	v62 =	vld [tilespmem:s24+$0x6240];
	v4 =	vadd.f32 v8, v4;
	v8 =	vmul.f32 v10, v10;
	v10 =	vsub.f32 v12, v11  }
0xdf: {  	v9 =	vsub.f32 v9, v15;
	v11 =	vmul.f32 v13, v13;
	v12 =	vsub.f32 v56, v58;
	v15 =	vld [tilespmem:s24+$0xE240]  }
0xe0: {  	v7 =	vadd.f32 v8, v7;
	v13 =	vsub.f32 v59, v14;
	v8 =	vld [tilespmem:s24+$0x6250];
	v10 =	vmul.f32 v10, v10  }
0xe1: {  	v6 =	vadd.f32 v11, v6;
	v14 =	vmul.f32 v9, v9;
	v12 =	vmul.f32 v12, v12;
	v11 =	vld [tilespmem:s24+$0xE250]  }
0xe2: {  	v63 =	vsub.f32 v60, v61;
	v13 =	vmul.f32 v13, v13;
	v9 =	vld [tilespmem:s24+$0x6260];
	v1 =	vadd.f32 v10, v1  }
0xe3: {  	s1 =	simm.s32 $0x80;
	v2 =	vadd.f32 v14, v2;
	v3 =	vadd.f32 v12, v3;
	v12 =	vld [tilespmem:s24+$0xE260]  }
0xe4: {  	v10 =	vld [tilespmem:s1+$0x6270];
	s24 =	simm.s32 $0x400;
	v5 =	vadd.f32 v13, v5;
	v13 =	vmul.f32 v63, v63;
	v14 =	vsub.f32 v62, v15  }
.LBB2_8:
0xe5: {  	p0 =	sne.s32 s24, $0x7E00;
	v15 =	vld [tilespmem:s1+$0xE270]  }
0xe6: {  	v16 =	vld [tilespmem:s1+$0x6200];
	v0 =	vadd.f32 v13, v0;
	v13 =	vmul.f32 v14, v14;
	v8 =	vsub.f32 v8, v11  }
0xe7: {  	v11 =	vld [tilespmem:s1+$0xE200]  }
0xe8: {  	v14 =	vld [tilespmem:s1+$0x6210];
	v4 =	vadd.f32 v13, v4;
	v8 =	vmul.f32 v8, v8;
	v9 =	vsub.f32 v9, v12  }
0xe9: {  	v12 =	vld [tilespmem:s1+$0xE210]  }
0xea: {  	v13 =	vld [tilespmem:s1+$0x6220];
	v10 =	vsub.f32 v10, v15;
	v7 =	vadd.f32 v8, v7;
	v8 =	vmul.f32 v9, v9  }
0xeb: {  	v9 =	vld [tilespmem:s1+$0xE220]  }
0xec: {  	v11 =	vsub.f32 v16, v11;
	v15 =	vld [tilespmem:s1+$0x6230];
	v10 =	vmul.f32 v10, v10;
	v6 =	vadd.f32 v8, v6  }
0xed: {  	v16 =	vld [tilespmem:s1+$0xE230]  }
0xee: {  	v8 =	vmul.f32 v11, v11;
	v11 =	vsub.f32 v14, v12;
	v14 =	vld [tilespmem:s1+$0x6240];
	v1 =	vadd.f32 v10, v1  }
0xef: {  	v17 =	vld [tilespmem:s1+$0xE240]  }
.Ltmp3:
0xf0: {  	v2 =	vadd.f32 v8, v2;
	v10 =	vmul.f32 v11, v11;
	v9 =	vsub.f32 v13, v9;
	v8 =	vld [tilespmem:s1+$0x6250];
	(pc) =	sbr.rel @p0 .LBB2_8-.Ltmp3, $4  }
0xf1: {  	v11 =	vld [tilespmem:s1+$0xE250]  }
0xf2: {  	v3 =	vadd.f32 v10, v3;
	v13 =	vmul.f32 v9, v9;
	v15 =	vsub.f32 v15, v16;
	v9 =	vld [tilespmem:s1+$0x6260]  }
0xf3: {  	v12 =	vld [tilespmem:s1+$0xE260];
	s1 =	sshra.s32 s24, $0x2  }
0xf4: {  	s24 =	sadd.s32 $0x200, s24;
	v10 =	vld [tilespmem:s1+$0x6270];
	v5 =	vadd.f32 v13, v5;
	v13 =	vmul.f32 v15, v15;
	v14 =	vsub.f32 v14, v17  }
0xf5: {  	v15 =	vld [tilespmem:s1+$0xE270]  }
0xf6: {  	v16 =	vld [tilespmem:s1+$0x6200]  }
0xf7: {  	v17 =	vld [tilespmem:s1+$0xE200]  }
0xf8: {  	v18 =	vld [tilespmem:s1+$0x6210]  }
0xf9: {  	v19 =	vld [tilespmem:s1+$0xE210]  }
0xfa: {  	v20 =	vld [tilespmem:s1+$0x6220]  }
0xfb: {  	v21 =	vld [tilespmem:s1+$0xE220]  }
0xfc: {  	v22 =	vld [tilespmem:s1+$0x6230]  }
0xfd: {  	v23 =	vld [tilespmem:s1+$0xE230]  }
0xfe: {  	v24 =	vld [tilespmem:s1+$0x6240]  }
0xff: {  	v25 =	vld [tilespmem:s1+$0xE240]  }
0x100: {  	v26 =	vld [tilespmem:s1+$0x6250]  }
0x101: {  	v27 =	vld [tilespmem:s1+$0xE250]  }
0x102: {  	v28 =	vld [tilespmem:s1+$0x6260];
	s24 =	simm.s32 $0x1C0  }
0x103: {  	v29 =	vld [tilespmem:s1+$0xE260];
	[tilespmem:s25], [sflag:$0x4] =	stream.indirect.gather [hbm4b:s2+s16], $0x80, s24, s16, $0xb8  }
0x104: {  	s24 =	simm.s32 $0x0  }
0x105: {  	[tilespmem:s26], [sflag:$0x4] =	stream.linear.gather [hbm4b:s12+s24], $0x2000, $0x38;
	[tilespmem:$0x10280] =	vst v63  }
0x106: {  	_ =	swait.ge [sflag:s28], $0x2000  }
0x107: {  	[sflag:s28] =	ssyncset.done $0x0  }
0x108: {  	[sflag:s28] =	ssyncadd.s32 $0xFFFFE000  }
0x109: {  	_ =	swait.ge [sflag:s28], $0x2000  }
0x10a: {  	v8 =	vsub.f32 v8, v11;
	[sflag:s28] =	ssyncset.done $0x0  }
0x10b: {  	v11 =	vmul.f32 v14, v14;
	s24 =	simm.s32 $0x0;
	[sflag:s28] =	ssyncadd.s32 $0xFFFFE000  }
0x10c: {  	v8 =	vmul.f32 v8, v8;
	v9 =	vsub.f32 v9, v12;
	v12 =	vld [tilespmem:s24+$0x270]  }
0x10d: {  	v0 =	vadd.f32 v13, v0;
	v4 =	vadd.f32 v11, v4;
	v11 =	vld [tilespmem:s24+$0x8270]  }
0x10e: {  	v10 =	vsub.f32 v10, v15;
	v7 =	vadd.f32 v8, v7;
	v8 =	vmul.f32 v9, v9;
	v9 =	vld [tilespmem:s24+$0x200]  }
0x10f: {  	v13 =	vsub.f32 v16, v17;
	v14 =	vsub.f32 v18, v19;
	v15 =	vld [tilespmem:s24+$0x8200]  }
0x110: {  	v6 =	vadd.f32 v8, v6;
	v8 =	vmul.f32 v10, v10;
	v10 =	vsub.f32 v20, v21;
	v56 =	vld [tilespmem:s24+$0x210]  }
0x111: {  	v57 =	vsub.f32 v22, v23;
	v13 =	vmul.f32 v13, v13;
	v14 =	vmul.f32 v14, v14;
	v58 =	vld [tilespmem:s24+$0x8210]  }
0x112: {  	v1 =	vadd.f32 v8, v1;
	v8 =	vmul.f32 v10, v10;
	v10 =	vsub.f32 v24, v25;
	v59 =	vld [tilespmem:s24+$0x220]  }
0x113: {  	v2 =	vadd.f32 v13, v2;
	v3 =	vadd.f32 v14, v3;
	v13 =	vmul.f32 v57, v57;
	v14 =	vld [tilespmem:s24+$0x8220]  }
0x114: {  	v60 =	vld [tilespmem:s24+$0x230];
	v5 =	vadd.f32 v8, v5;
	v8 =	vmul.f32 v10, v10;
	v10 =	vsub.f32 v26, v27  }
0x115: {  	v61 =	vld [tilespmem:s24+$0x8230];
	v0 =	vadd.f32 v13, v0;
	v13 =	vsub.f32 v28, v29  }
0x116: {  	v62 =	vld [tilespmem:s24+$0x240];
	v4 =	vadd.f32 v8, v4;
	v8 =	vmul.f32 v10, v10;
	v10 =	vsub.f32 v12, v11  }
0x117: {  	v9 =	vsub.f32 v9, v15;
	v11 =	vmul.f32 v13, v13;
	v12 =	vsub.f32 v56, v58;
	v15 =	vld [tilespmem:s24+$0x8240]  }
0x118: {  	v7 =	vadd.f32 v8, v7;
	v13 =	vsub.f32 v59, v14;
	v8 =	vld [tilespmem:s24+$0x250];
	v10 =	vmul.f32 v10, v10  }
0x119: {  	v6 =	vadd.f32 v11, v6;
	v14 =	vmul.f32 v9, v9;
	v12 =	vmul.f32 v12, v12;
	v11 =	vld [tilespmem:s24+$0x8250]  }
0x11a: {  	v63 =	vsub.f32 v60, v61;
	v13 =	vmul.f32 v13, v13;
	v9 =	vld [tilespmem:s24+$0x260];
	v1 =	vadd.f32 v10, v1  }
0x11b: {  	s1 =	simm.s32 $0x80;
	v2 =	vadd.f32 v14, v2;
	v3 =	vadd.f32 v12, v3;
	v12 =	vld [tilespmem:s24+$0x8260]  }
0x11c: {  	v10 =	vld [tilespmem:s1+$0x270];
	s24 =	simm.s32 $0x400;
	v5 =	vadd.f32 v13, v5;
	v13 =	vmul.f32 v63, v63;
	v14 =	vsub.f32 v62, v15  }
.LBB2_10:
0x11d: {  	p0 =	sne.s32 s24, $0x7E00;
	v15 =	vld [tilespmem:s1+$0x8270]  }
0x11e: {  	v16 =	vld [tilespmem:s1+$0x200];
	v0 =	vadd.f32 v13, v0;
	v13 =	vmul.f32 v14, v14;
	v8 =	vsub.f32 v8, v11  }
0x11f: {  	v11 =	vld [tilespmem:s1+$0x8200]  }
0x120: {  	v14 =	vld [tilespmem:s1+$0x210];
	v4 =	vadd.f32 v13, v4;
	v8 =	vmul.f32 v8, v8;
	v9 =	vsub.f32 v9, v12  }
0x121: {  	v12 =	vld [tilespmem:s1+$0x8210]  }
0x122: {  	v13 =	vld [tilespmem:s1+$0x220];
	v10 =	vsub.f32 v10, v15;
	v7 =	vadd.f32 v8, v7;
	v8 =	vmul.f32 v9, v9  }
0x123: {  	v9 =	vld [tilespmem:s1+$0x8220]  }
0x124: {  	v11 =	vsub.f32 v16, v11;
	v15 =	vld [tilespmem:s1+$0x230];
	v10 =	vmul.f32 v10, v10;
	v6 =	vadd.f32 v8, v6  }
0x125: {  	v16 =	vld [tilespmem:s1+$0x8230]  }
0x126: {  	v8 =	vmul.f32 v11, v11;
	v11 =	vsub.f32 v14, v12;
	v14 =	vld [tilespmem:s1+$0x240];
	v1 =	vadd.f32 v10, v1  }
0x127: {  	v17 =	vld [tilespmem:s1+$0x8240]  }
.Ltmp4:
0x128: {  	v2 =	vadd.f32 v8, v2;
	v10 =	vmul.f32 v11, v11;
	v9 =	vsub.f32 v13, v9;
	v8 =	vld [tilespmem:s1+$0x250];
	(pc) =	sbr.rel @p0 .LBB2_10-.Ltmp4, $4  }
0x129: {  	v11 =	vld [tilespmem:s1+$0x8250]  }
0x12a: {  	v3 =	vadd.f32 v10, v3;
	v13 =	vmul.f32 v9, v9;
	v15 =	vsub.f32 v15, v16;
	v9 =	vld [tilespmem:s1+$0x260]  }
0x12b: {  	v12 =	vld [tilespmem:s1+$0x8260];
	s1 =	sshra.s32 s24, $0x2  }
0x12c: {  	s24 =	sadd.s32 $0x200, s24;
	v10 =	vld [tilespmem:s1+$0x270];
	v5 =	vadd.f32 v13, v5;
	v13 =	vmul.f32 v15, v15;
	v14 =	vsub.f32 v14, v17  }
0x12d: {  	v15 =	vld [tilespmem:s1+$0x8270]  }
0x12e: {  	v16 =	vld [tilespmem:s1+$0x200]  }
0x12f: {  	v17 =	vld [tilespmem:s1+$0x8200]  }
0x130: {  	v18 =	vld [tilespmem:s1+$0x210]  }
0x131: {  	v19 =	vld [tilespmem:s1+$0x8210]  }
0x132: {  	v20 =	vld [tilespmem:s1+$0x220]  }
0x133: {  	v21 =	vld [tilespmem:s1+$0x8220]  }
0x134: {  	v22 =	vld [tilespmem:s1+$0x230]  }
0x135: {  	v23 =	vld [tilespmem:s1+$0x8230]  }
0x136: {  	v24 =	vld [tilespmem:s1+$0x240]  }
0x137: {  	v25 =	vld [tilespmem:s1+$0x8240]  }
0x138: {  	v26 =	vld [tilespmem:s1+$0x250]  }
0x139: {  	v27 =	vld [tilespmem:s1+$0x8250]  }
0x13a: {  	v28 =	vld [tilespmem:s1+$0x260]  }
0x13b: {  	v29 =	vld [tilespmem:s1+$0x8260];
	_ =	swait.ge [sflag:s30], $0x2000  }
0x13c: {  	[sflag:s30] =	ssyncset.done $0x0  }
0x13d: {  	[sflag:s30] =	ssyncadd.s32 $0xFFFFE000  }
0x13e: {  	_ =	swait.ge [sflag:s30], $0x2000  }
0x13f: {  	v8 =	vsub.f32 v8, v11;
	[sflag:s30] =	ssyncset.done $0x0  }
0x140: {  	s24 =	simm.s32 $0x0;
	v11 =	vmul.f32 v14, v14;
	[sflag:s30] =	ssyncadd.s32 $0xFFFFE000  }
0x141: {  	v8 =	vmul.f32 v8, v8;
	v9 =	vsub.f32 v9, v12;
	v12 =	vld [tilespmem:s24+$0x2270]  }
0x142: {  	v4 =	vadd.f32 v11, v4;
	v11 =	vld [tilespmem:s24+$0xA270]  }
0x143: {  	v7 =	vadd.f32 v8, v7;
	v8 =	vmul.f32 v9, v9;
	v9 =	vld [tilespmem:s24+$0x2200]  }
0x144: {  	v0 =	vadd.f32 v13, v0;
	v10 =	vsub.f32 v10, v15;
	v15 =	vld [tilespmem:s24+$0xA200]  }
0x145: {  	v13 =	vsub.f32 v16, v17;
	v14 =	vsub.f32 v18, v19;
	v56 =	vld [tilespmem:s24+$0x2210]  }
0x146: {  	v58 =	vld [tilespmem:s24+$0xA210];
	v6 =	vadd.f32 v8, v6;
	v8 =	vmul.f32 v10, v10;
	v10 =	vsub.f32 v20, v21  }
0x147: {  	v57 =	vsub.f32 v22, v23;
	v59 =	vld [tilespmem:s24+$0x2220];
	v13 =	vmul.f32 v13, v13;
	v14 =	vmul.f32 v14, v14  }
0x148: {  	v60 =	vld [tilespmem:s24+$0x2230];
	v1 =	vadd.f32 v8, v1;
	v8 =	vmul.f32 v10, v10;
	v10 =	vsub.f32 v24, v25  }
0x149: {  	v2 =	vadd.f32 v13, v2;
	v3 =	vadd.f32 v14, v3;
	v13 =	vmul.f32 v57, v57;
	v14 =	vld [tilespmem:s24+$0xA220]  }
0x14a: {  	v61 =	vld [tilespmem:s24+$0xA230];
	v5 =	vadd.f32 v8, v5;
	v8 =	vmul.f32 v10, v10;
	v10 =	vsub.f32 v26, v27  }
0x14b: {  	v62 =	vld [tilespmem:s24+$0x2240];
	v0 =	vadd.f32 v13, v0;
	v13 =	vsub.f32 v28, v29  }
0x14c: {  	v9 =	vsub.f32 v9, v15;
	v15 =	vld [tilespmem:s24+$0xA240];
	v4 =	vadd.f32 v8, v4;
	v8 =	vmul.f32 v10, v10  }
0x14d: {  	v10 =	vsub.f32 v12, v11;
	v11 =	vmul.f32 v13, v13;
	v12 =	vsub.f32 v56, v58  }
0x14e: {  	v13 =	vsub.f32 v59, v14;
	v14 =	vmul.f32 v9, v9;
	v7 =	vadd.f32 v8, v7;
	v8 =	vld [tilespmem:s24+$0x2250]  }
0x14f: {  	v63 =	vsub.f32 v60, v61;
	v6 =	vadd.f32 v11, v6;
	v12 =	vmul.f32 v12, v12;
	v11 =	vld [tilespmem:s24+$0xA250]  }
0x150: {  	v9 =	vld [tilespmem:s24+$0x2260];
	v10 =	vmul.f32 v10, v10;
	v13 =	vmul.f32 v13, v13;
	v2 =	vadd.f32 v14, v2  }
0x151: {  	s1 =	simm.s32 $0x80;
	v14 =	vsub.f32 v62, v15;
	v3 =	vadd.f32 v12, v3;
	v12 =	vld [tilespmem:s24+$0xA260]  }
0x152: {  	v1 =	vadd.f32 v10, v1;
	v10 =	vld [tilespmem:s1+$0x2270];
	s24 =	simm.s32 $0x400;
	v5 =	vadd.f32 v13, v5;
	v13 =	vmul.f32 v63, v63  }
.LBB2_12:
0x153: {  	p0 =	sne.s32 s24, $0x7E00;
	v15 =	vld [tilespmem:s1+$0xA270]  }
0x154: {  	v16 =	vld [tilespmem:s1+$0x2200];
	v0 =	vadd.f32 v13, v0;
	v13 =	vmul.f32 v14, v14;
	v8 =	vsub.f32 v8, v11  }
0x155: {  	v11 =	vld [tilespmem:s1+$0xA200]  }
0x156: {  	v14 =	vld [tilespmem:s1+$0x2210];
	v4 =	vadd.f32 v13, v4;
	v8 =	vmul.f32 v8, v8;
	v9 =	vsub.f32 v9, v12  }
0x157: {  	v12 =	vld [tilespmem:s1+$0xA210]  }
0x158: {  	v13 =	vld [tilespmem:s1+$0x2220];
	v10 =	vsub.f32 v10, v15;
	v7 =	vadd.f32 v8, v7;
	v8 =	vmul.f32 v9, v9  }
0x159: {  	v9 =	vld [tilespmem:s1+$0xA220]  }
0x15a: {  	v11 =	vsub.f32 v16, v11;
	v15 =	vld [tilespmem:s1+$0x2230];
	v10 =	vmul.f32 v10, v10;
	v6 =	vadd.f32 v8, v6  }
0x15b: {  	v16 =	vld [tilespmem:s1+$0xA230]  }
0x15c: {  	v8 =	vmul.f32 v11, v11;
	v11 =	vsub.f32 v14, v12;
	v14 =	vld [tilespmem:s1+$0x2240];
	v1 =	vadd.f32 v10, v1  }
0x15d: {  	v17 =	vld [tilespmem:s1+$0xA240]  }
.Ltmp5:
0x15e: {  	v2 =	vadd.f32 v8, v2;
	v10 =	vmul.f32 v11, v11;
	v9 =	vsub.f32 v13, v9;
	v8 =	vld [tilespmem:s1+$0x2250];
	(pc) =	sbr.rel @p0 .LBB2_12-.Ltmp5, $4  }
0x15f: {  	v11 =	vld [tilespmem:s1+$0xA250]  }
0x160: {  	v3 =	vadd.f32 v10, v3;
	v13 =	vmul.f32 v9, v9;
	v15 =	vsub.f32 v15, v16;
	v9 =	vld [tilespmem:s1+$0x2260]  }
0x161: {  	v12 =	vld [tilespmem:s1+$0xA260];
	s1 =	sshra.s32 s24, $0x2  }
0x162: {  	s24 =	sadd.s32 $0x200, s24;
	v10 =	vld [tilespmem:s1+$0x2270];
	v5 =	vadd.f32 v13, v5;
	v13 =	vmul.f32 v15, v15;
	v14 =	vsub.f32 v14, v17  }
0x163: {  	v15 =	vld [tilespmem:s1+$0xA270]  }
0x164: {  	v16 =	vld [tilespmem:s1+$0x2200]  }
0x165: {  	v17 =	vld [tilespmem:s1+$0xA200]  }
0x166: {  	v18 =	vld [tilespmem:s1+$0x2210]  }
0x167: {  	v19 =	vld [tilespmem:s1+$0xA210]  }
0x168: {  	v20 =	vld [tilespmem:s1+$0x2220]  }
0x169: {  	v21 =	vld [tilespmem:s1+$0xA220]  }
0x16a: {  	v22 =	vld [tilespmem:s1+$0x2230]  }
0x16b: {  	v23 =	vld [tilespmem:s1+$0xA230]  }
0x16c: {  	v24 =	vld [tilespmem:s1+$0x2240]  }
0x16d: {  	v25 =	vld [tilespmem:s1+$0xA240]  }
0x16e: {  	v26 =	vld [tilespmem:s1+$0x2250]  }
0x16f: {  	v27 =	vld [tilespmem:s1+$0xA250]  }
0x170: {  	v28 =	vld [tilespmem:s1+$0x2260]  }
0x171: {  	v29 =	vld [tilespmem:s1+$0xA260];
	_ =	swait.ge [sflag:s0], $0x2000  }
0x172: {  	[sflag:s0] =	ssyncset.done $0x0  }
0x173: {  	[sflag:s0] =	ssyncadd.s32 $0xFFFFE000  }
0x174: {  	_ =	swait.ge [sflag:s0], $0x2000  }
0x175: {  	v8 =	vsub.f32 v8, v11;
	[sflag:s0] =	ssyncset.done $0x0  }
0x176: {  	s24 =	simm.s32 $0x0;
	v11 =	vmul.f32 v14, v14;
	[sflag:s0] =	ssyncadd.s32 $0xFFFFE000  }
0x177: {  	v8 =	vmul.f32 v8, v8;
	v9 =	vsub.f32 v9, v12;
	v12 =	vld [tilespmem:s24+$0x4270]  }
0x178: {  	v4 =	vadd.f32 v11, v4;
	v11 =	vld [tilespmem:s24+$0xC270]  }
0x179: {  	v7 =	vadd.f32 v8, v7;
	v8 =	vmul.f32 v9, v9;
	v9 =	vld [tilespmem:s24+$0x4200]  }
0x17a: {  	v0 =	vadd.f32 v13, v0;
	v10 =	vsub.f32 v10, v15;
	v15 =	vld [tilespmem:s24+$0xC200]  }
0x17b: {  	v13 =	vsub.f32 v16, v17;
	v14 =	vsub.f32 v18, v19;
	v56 =	vld [tilespmem:s24+$0x4210]  }
0x17c: {  	v58 =	vld [tilespmem:s24+$0xC210];
	v6 =	vadd.f32 v8, v6;
	v8 =	vmul.f32 v10, v10;
	v10 =	vsub.f32 v20, v21  }
0x17d: {  	v57 =	vsub.f32 v22, v23;
	v59 =	vld [tilespmem:s24+$0x4220];
	v13 =	vmul.f32 v13, v13;
	v14 =	vmul.f32 v14, v14  }
0x17e: {  	v60 =	vld [tilespmem:s24+$0x4230];
	v1 =	vadd.f32 v8, v1;
	v8 =	vmul.f32 v10, v10;
	v10 =	vsub.f32 v24, v25  }
0x17f: {  	v2 =	vadd.f32 v13, v2;
	v3 =	vadd.f32 v14, v3;
	v13 =	vmul.f32 v57, v57;
	v14 =	vld [tilespmem:s24+$0xC220]  }
0x180: {  	v61 =	vld [tilespmem:s24+$0xC230];
	v5 =	vadd.f32 v8, v5;
	v8 =	vmul.f32 v10, v10;
	v10 =	vsub.f32 v26, v27  }
0x181: {  	v62 =	vld [tilespmem:s24+$0x4240];
	v0 =	vadd.f32 v13, v0;
	v13 =	vsub.f32 v28, v29  }
0x182: {  	v9 =	vsub.f32 v9, v15;
	v15 =	vld [tilespmem:s24+$0xC240];
	v4 =	vadd.f32 v8, v4;
	v8 =	vmul.f32 v10, v10  }
0x183: {  	v10 =	vsub.f32 v12, v11;
	v11 =	vmul.f32 v13, v13;
	v12 =	vsub.f32 v56, v58  }
0x184: {  	v13 =	vsub.f32 v59, v14;
	v14 =	vmul.f32 v9, v9;
	v7 =	vadd.f32 v8, v7;
	v8 =	vld [tilespmem:s24+$0x4250]  }
0x185: {  	v63 =	vsub.f32 v60, v61;
	v6 =	vadd.f32 v11, v6;
	v12 =	vmul.f32 v12, v12;
	v11 =	vld [tilespmem:s24+$0xC250]  }
0x186: {  	v9 =	vld [tilespmem:s24+$0x4260];
	v10 =	vmul.f32 v10, v10;
	v13 =	vmul.f32 v13, v13;
	v2 =	vadd.f32 v14, v2  }
0x187: {  	s1 =	simm.s32 $0x80;
	v14 =	vsub.f32 v62, v15;
	v3 =	vadd.f32 v12, v3;
	v12 =	vld [tilespmem:s24+$0xC260]  }
0x188: {  	v1 =	vadd.f32 v10, v1;
	v10 =	vld [tilespmem:s1+$0x4270];
	s24 =	simm.s32 $0x400;
	v5 =	vadd.f32 v13, v5;
	v13 =	vmul.f32 v63, v63  }
.LBB2_14:
0x189: {  	p0 =	sne.s32 s24, $0x7E00;
	v15 =	vld [tilespmem:s1+$0xC270]  }
0x18a: {  	v16 =	vld [tilespmem:s1+$0x4200];
	v0 =	vadd.f32 v13, v0;
	v13 =	vmul.f32 v14, v14;
	v8 =	vsub.f32 v8, v11  }
0x18b: {  	v11 =	vld [tilespmem:s1+$0xC200]  }
0x18c: {  	v14 =	vld [tilespmem:s1+$0x4210];
	v4 =	vadd.f32 v13, v4;
	v8 =	vmul.f32 v8, v8;
	v9 =	vsub.f32 v9, v12  }
0x18d: {  	v12 =	vld [tilespmem:s1+$0xC210]  }
0x18e: {  	v13 =	vld [tilespmem:s1+$0x4220];
	v10 =	vsub.f32 v10, v15;
	v7 =	vadd.f32 v8, v7;
	v8 =	vmul.f32 v9, v9  }
0x18f: {  	v9 =	vld [tilespmem:s1+$0xC220]  }
0x190: {  	v11 =	vsub.f32 v16, v11;
	v15 =	vld [tilespmem:s1+$0x4230];
	v10 =	vmul.f32 v10, v10;
	v6 =	vadd.f32 v8, v6  }
0x191: {  	v16 =	vld [tilespmem:s1+$0xC230]  }
0x192: {  	v8 =	vmul.f32 v11, v11;
	v11 =	vsub.f32 v14, v12;
	v14 =	vld [tilespmem:s1+$0x4240];
	v1 =	vadd.f32 v10, v1  }
0x193: {  	v17 =	vld [tilespmem:s1+$0xC240]  }
.Ltmp6:
0x194: {  	v2 =	vadd.f32 v8, v2;
	v10 =	vmul.f32 v11, v11;
	v9 =	vsub.f32 v13, v9;
	v8 =	vld [tilespmem:s1+$0x4250];
	(pc) =	sbr.rel @p0 .LBB2_14-.Ltmp6, $4  }
0x195: {  	v11 =	vld [tilespmem:s1+$0xC250]  }
0x196: {  	v3 =	vadd.f32 v10, v3;
	v13 =	vmul.f32 v9, v9;
	v15 =	vsub.f32 v15, v16;
	v9 =	vld [tilespmem:s1+$0x4260]  }
0x197: {  	v12 =	vld [tilespmem:s1+$0xC260];
	s1 =	sshra.s32 s24, $0x2  }
0x198: {  	s24 =	sadd.s32 $0x200, s24;
	v10 =	vld [tilespmem:s1+$0x4270];
	v5 =	vadd.f32 v13, v5;
	v13 =	vmul.f32 v15, v15;
	v14 =	vsub.f32 v14, v17  }
0x199: {  	v15 =	vld [tilespmem:s1+$0xC270]  }
0x19a: {  	v16 =	vld [tilespmem:s1+$0x4200]  }
0x19b: {  	v17 =	vld [tilespmem:s1+$0xC200]  }
0x19c: {  	v18 =	vld [tilespmem:s1+$0x4210]  }
0x19d: {  	v19 =	vld [tilespmem:s1+$0xC210]  }
0x19e: {  	v20 =	vld [tilespmem:s1+$0x4220]  }
0x19f: {  	v21 =	vld [tilespmem:s1+$0xC220]  }
0x1a0: {  	v22 =	vld [tilespmem:s1+$0x4230]  }
0x1a1: {  	v23 =	vld [tilespmem:s1+$0xC230]  }
0x1a2: {  	v24 =	vld [tilespmem:s1+$0x4240]  }
0x1a3: {  	v25 =	vld [tilespmem:s1+$0xC240]  }
0x1a4: {  	v26 =	vld [tilespmem:s1+$0x4250]  }
0x1a5: {  	v27 =	vld [tilespmem:s1+$0xC250]  }
0x1a6: {  	v28 =	vld [tilespmem:s1+$0x4260]  }
0x1a7: {  	v29 =	vld [tilespmem:s1+$0xC260];
	_ =	swait.ge [sflag:s21], $0x2000  }
0x1a8: {  	[sflag:s21] =	ssyncset.done $0x0  }
0x1a9: {  	[sflag:s21] =	ssyncadd.s32 $0xFFFFE000  }
0x1aa: {  	v8 =	vsub.f32 v8, v11;
	_ =	swait.ge [sflag:s21], $0x2000  }
0x1ab: {  	v11 =	vmul.f32 v14, v14;
	[sflag:s21] =	ssyncset.done $0x0  }
0x1ac: {  	s24 =	simm.s32 $0x0;
	v8 =	vmul.f32 v8, v8;
	v9 =	vsub.f32 v9, v12;
	[sflag:s21] =	ssyncadd.s32 $0xFFFFE000  }
0x1ad: {  	v0 =	vadd.f32 v13, v0;
	v11 =	vadd.f32 v11, v4;
	v12 =	vld [tilespmem:s24+$0x6270]  }
0x1ae: {  	v4 =	vsub.f32 v10, v15;
	v7 =	vadd.f32 v8, v7;
	v8 =	vmul.f32 v9, v9;
	v13 =	vld [tilespmem:s24+$0xE270]  }
0x1af: {  	v10 =	vsub.f32 v16, v17;
	v14 =	vsub.f32 v18, v19;
	v9 =	vld [tilespmem:s24+$0x6200]  }
0x1b0: {  	v15 =	vld [tilespmem:s24+$0xE200];
	v6 =	vadd.f32 v8, v6;
	v4 =	vmul.f32 v4, v4;
	v8 =	vsub.f32 v20, v21  }
0x1b1: {  	v55 =	vsub.f32 v22, v23;
	v54 =	vld [tilespmem:s24+$0x6210];
	v10 =	vmul.f32 v10, v10  }
0x1b2: {  	v56 =	vld [tilespmem:s24+$0xE210];
	v14 =	vmul.f32 v14, v14;
	v57 =	vadd.f32 v4, v1;
	v1 =	vmul.f32 v8, v8  }
0x1b3: {  	v4 =	vsub.f32 v24, v25;
	v8 =	vld [tilespmem:s24+$0x6220];
	v58 =	vadd.f32 v10, v2;
	v2 =	vmul.f32 v55, v55  }
0x1b4: {  	v59 =	vsub.f32 v26, v27;
	v14 =	vadd.f32 v14, v3;
	v10 =	vld [tilespmem:s24+$0xE220]  }
0x1b5: {  	v60 =	vld [tilespmem:s24+$0x6230];
	v5 =	vadd.f32 v1, v5;
	v1 =	vmul.f32 v4, v4;
	v4 =	vadd.f32 v2, v0  }
0x1b6: {  	v61 =	vld [tilespmem:s24+$0xE230];
	v0 =	vsub.f32 v28, v29;
	v9 =	vsub.f32 v9, v15  }
0x1b7: {  	v15 =	vld [tilespmem:s24+$0xE240];
	v3 =	vadd.f32 v1, v11;
	v1 =	vmul.f32 v59, v59;
	v11 =	vsub.f32 v12, v13  }
0x1b8: {  	v13 =	vld [tilespmem:s24+$0x6240];
	v0 =	vmul.f32 v0, v0;
	v12 =	vsub.f32 v54, v56  }
0x1b9: {  	v8 =	vsub.f32 v8, v10;
	v10 =	vld [tilespmem:s24+$0x6250];
	v2 =	vadd.f32 v1, v7;
	v7 =	vmul.f32 v11, v11  }
0x1ba: {  	v1 =	vadd.f32 v0, v6;
	v6 =	vmul.f32 v9, v9;
	v11 =	vmul.f32 v12, v12;
	v12 =	vld [tilespmem:s24+$0xE250]  }
0x1bb: {  	v63 =	vsub.f32 v60, v61;
	v9 =	vld [tilespmem:s24+$0x6260];
	v62 =	vmul.f32 v8, v8;
	v0 =	vadd.f32 v7, v57  }
0x1bc: {  	s1 =	simm.s32 $0x80;
	v6 =	vadd.f32 v6, v58;
	v7 =	vadd.f32 v11, v14;
	v11 =	vld [tilespmem:s24+$0xE260]  }
0x1bd: {  	v8 =	vld [tilespmem:s1+$0x6270];
	s24 =	simm.s32 $0x400;
	v14 =	vmul.f32 v63, v63;
	v5 =	vadd.f32 v62, v5;
	v13 =	vsub.f32 v13, v15  }
.LBB2_16:
0x1be: {  	p0 =	sne.s32 s24, $0x7E00;
	v15 =	vld [tilespmem:s1+$0xE270]  }
0x1bf: {  	v16 =	vld [tilespmem:s1+$0x6200];
	v4 =	vadd.f32 v14, v4;
	v13 =	vmul.f32 v13, v13;
	v10 =	vsub.f32 v10, v12  }
0x1c0: {  	v12 =	vld [tilespmem:s1+$0xE200]  }
0x1c1: {  	v14 =	vld [tilespmem:s1+$0x6210];
	v3 =	vadd.f32 v13, v3;
	v10 =	vmul.f32 v10, v10;
	v9 =	vsub.f32 v9, v11  }
0x1c2: {  	v11 =	vld [tilespmem:s1+$0xE210]  }
0x1c3: {  	v13 =	vld [tilespmem:s1+$0x6220];
	v8 =	vsub.f32 v8, v15;
	v2 =	vadd.f32 v10, v2;
	v9 =	vmul.f32 v9, v9  }
0x1c4: {  	v10 =	vld [tilespmem:s1+$0xE220]  }
0x1c5: {  	v12 =	vsub.f32 v16, v12;
	v15 =	vld [tilespmem:s1+$0x6230];
	v8 =	vmul.f32 v8, v8;
	v1 =	vadd.f32 v9, v1  }
0x1c6: {  	v9 =	vld [tilespmem:s1+$0xE230]  }
0x1c7: {  	v12 =	vmul.f32 v12, v12;
	v11 =	vsub.f32 v14, v11;
	v16 =	vld [tilespmem:s1+$0x6240];
	v0 =	vadd.f32 v8, v0  }
0x1c8: {  	v17 =	vld [tilespmem:s1+$0xE240]  }
.Ltmp7:
0x1c9: {  	v6 =	vadd.f32 v12, v6;
	v8 =	vmul.f32 v11, v11;
	v11 =	vsub.f32 v13, v10;
	v10 =	vld [tilespmem:s1+$0x6250];
	(pc) =	sbr.rel @p0 .LBB2_16-.Ltmp7, $4  }
0x1ca: {  	v12 =	vld [tilespmem:s1+$0xE250]  }
0x1cb: {  	v7 =	vadd.f32 v8, v7;
	v13 =	vmul.f32 v11, v11;
	v14 =	vsub.f32 v15, v9;
	v9 =	vld [tilespmem:s1+$0x6260]  }
0x1cc: {  	v11 =	vld [tilespmem:s1+$0xE260];
	s1 =	sshra.s32 s24, $0x2  }
0x1cd: {  	s24 =	sadd.s32 $0x200, s24;
	v8 =	vld [tilespmem:s1+$0x6270];
	v5 =	vadd.f32 v13, v5;
	v14 =	vmul.f32 v14, v14;
	v13 =	vsub.f32 v16, v17  }
0x1ce: {  	v15 =	vld [tilespmem:s1+$0x6200]  }
0x1cf: {  	v16 =	vld [tilespmem:s1+$0xE200]  }
0x1d0: {  	v17 =	vld [tilespmem:s1+$0x6210]  }
0x1d1: {  	v18 =	vld [tilespmem:s1+$0xE210]  }
0x1d2: {  	v19 =	vld [tilespmem:s1+$0x6220]  }
0x1d3: {  	v20 =	vld [tilespmem:s1+$0xE220]  }
0x1d4: {  	v21 =	vld [tilespmem:s1+$0x6230]  }
0x1d5: {  	v22 =	vld [tilespmem:s1+$0xE230]  }
0x1d6: {  	v23 =	vld [tilespmem:s1+$0x6240]  }
0x1d7: {  	v44 =	vld [tilespmem:s1+$0xE240];
	v15 =	vsub.f32 v15, v16;
	v43 =	vsub.f32 v17, v18  }
0x1d8: {  	v49 =	vld [tilespmem:s1+$0x6250];
	v4 =	vadd.f32 v14, v4  }
0x1d9: {  	v51 =	vld [tilespmem:s1+$0xE250];
	v48 =	vsub.f32 v19, v20;
	v46 =	vmul.f32 v15, v15;
	v47 =	vmul.f32 v43, v43  }
0x1da: {  	v53 =	vld [tilespmem:s1+$0x6260];
	v10 =	vsub.f32 v10, v12;
	v45 =	vmul.f32 v13, v13;
	v50 =	vsub.f32 v21, v22  }
0x1db: {  	v55 =	vld [tilespmem:s1+$0xE260];
	v52 =	vmul.f32 v48, v48;
	v6 =	vadd.f32 v46, v6;
	v7 =	vadd.f32 v47, v7  }
0x1dc: {  	v3 =	vadd.f32 v45, v3;
	v54 =	vsub.f32 v23, v44  }
0x1dd: {  	v56 =	vld [tilespmem:s1+$0xE270];
	v12 =	vmul.f32 v50, v50;
	v5 =	vadd.f32 v52, v5;
	v6 =	vadd.f32 v7, v6  }
0x1de: {  	v9 =	vsub.f32 v9, v11;
	v10 =	vmul.f32 v10, v10;
	v57 =	vsub.f32 v49, v51  }
0x1df: {  	v11 =	vmul.f32 v54, v54;
	v4 =	vadd.f32 v12, v4;
	v5 =	vadd.f32 v5, v6  }
0x1e0: {  	v2 =	vadd.f32 v10, v2;
	v58 =	vmul.f32 v9, v9;
	v60 =	vsub.f32 v53, v55  }
0x1e1: {  	v59 =	vmul.f32 v57, v57;
	v3 =	vadd.f32 v11, v3;
	v4 =	vadd.f32 v4, v5  }
0x1e2: {  	v61 =	vsub.f32 v8, v56;
	v1 =	vadd.f32 v58, v1  }
0x1e3: {  	v62 =	vmul.f32 v60, v60;
	v2 =	vadd.f32 v59, v2;
	v3 =	vadd.f32 v3, v4;
	_ =	sdelay $0x1  }
0x1e4: {  	v63 =	vmul.f32 v61, v61;
	v1 =	vadd.f32 v62, v1;
	v2 =	vadd.f32 v2, v3;
	_ =	sdelay $0x1  }
0x1e5: {  	v0 =	vadd.f32 v63, v0;
	v1 =	vadd.f32 v1, v2;
	_ =	sdelay $0x1  }
0x1e6: {  	s31 =	sadd.s32 $0x1, s31;
	v0 =	vadd.f32 v0, v1  }
0x1e7: {  	p0 =	sne.s32 s31, s14  }
.Ltmp8:
0x1e8: {  	[tilespmem:$0x10200] =	vst v0;
	(pc) =	sbr.rel @p0 .LBB2_1-.Ltmp8, $4  }
0x1e9: {  	[hbm4b:s13+s3] =	stream.linear.scatter [tilespmem:s29], [sflag:$0x5], $0x80, $0x38;
	[tilespmem:$0x10280] =	vst v63  }
0x1ea: {  	_ =	swait.ge [sflag:s15], $0x80  }
0x1eb: {  	[sflag:s15] =	ssyncset.done $0x0  }
0x1ec: {  	[sflag:s15] =	ssyncadd.s32 $0xFFFFFF80  }
0x1ed: {  	_ =	sfence.sel $0x180000  }
0x1ee: {  	[bflag:$0x0] =	sbarrier.arrive $0xFFFF  }
0x1ef: {  	_ =	strace $0x90000047  }
0x1f0: {  	s0 =	stileid.u32;
	[bflag:$0x2] =	sbarrier.arrive $0xFFFF  }
0x1f1: {  	p0 =	sne.s32 s0, $0x0;
	s0 =	rddreg [dreg:$0x4]  }
0x1f2: {  	s0 =	sadd.s32 @!p0 $0x100000, s0  }
0x1f3: {  	[sflag:s0] =	ssyncadd.tile.s32 @!p0 $0x1;
	_ =	shalt  }
.Lfunc_end2:
_tile_overlayer_lowered:
.L_overlay_start_2:
0x1f4: {  	(tag) =	ssettag $0x2  }
0x1f5: {  	s0 =	rddreg [dreg:$0x0];
	s2 =	stileid.u32  }
0x1f6: {  	s1 =	rddreg [dreg:$0x1];
	p0 =	sne.s32 s2, $0x0  }
0x1f7: {  	s3 =	rddreg [dreg:$0x2];
	[bflag:$0x3] =	sbarrier.arrive $0xFFFF;
	s2 =	simm.s32 @!p0 $0x1C05  }
0x1f8: {  	[timem:s3], [sflag:s2] =	dma.local @!p0 [hbm:s0], s1  }
0x1f9: {  	s0 =	simm.s32 @!p0 $0x5  }
0x1fa: {  	_ =	swait.ge @!p0 [sflag:s0], s1  }
0x1fb: {  	s1 =	ssub.s32 @!p0 $0x0, s1;
	[sflag:s0] =	ssyncset.done @!p0 $0x0  }
0x1fc: {  	[sflag:s0] =	ssyncadd.s32 @!p0 s1  }
0x1fd: {  	[bflag:$0x3] =	sbarrier.arrive $0xFFFF  }
0x1fe: {  	_ =	shalt  }

</sc_bundles>
